<compile_context>
chip_gen: v7x
topology: tpu7x:2x2x1
jax: 0.10.2.dev20260603
libtpu: 0.0.44.dev20260713+nightly
codegen_flags: <defaults>
</compile_context>

<pallas_src>
import functools

import jax
import jax.numpy as jnp
from jax import lax
from jax.experimental import pallas as pl
from jax.experimental.pallas import tpu as pltpu
from jax.experimental.pallas import tpu_sc as plsc

_NC = 2
_NS = 16
_NW = _NC * _NS
_L = 16
_K = 16


def _sc_body(B, S, D, x_hbm, emb_hbm, out_hbm,
             xb0, xb1, xb2, xb3, ebuf,
             si0, si1, si2, si3, so0, so1, so2, so3):
    xb = (xb0, xb1, xb2, xb3)
    si = (si0, si1, si2, si3)
    so = (so0, so1, so2, so3)
    c = lax.axis_index("c")
    s = lax.axis_index("s")
    wid = s * _NC + c
    spw = S // _NW
    seq0 = wid * spw
    blk = _K * D
    n_seq_blocks = spw // _K

    def x_off(i, b):
        return (b * S + seq0 + i * _K) * D

    def start_in(i, b, slot):
        pltpu.async_copy(x_hbm.at[pl.ds(x_off(i, b), blk)], xb[slot], si[slot])

    def wait_in(slot):
        pltpu.make_async_copy(x_hbm.at[pl.ds(0, blk)], xb[slot], si[slot]).wait()

    def start_out(i, b, slot):
        pltpu.async_copy(xb[slot], out_hbm.at[pl.ds(x_off(i, b), blk)], so[slot])

    def drain_out(slot):
        pltpu.make_async_copy(xb[slot], out_hbm.at[pl.ds(0, blk)], so[slot]).wait()

    start_in(0, 0, 0)
    start_in(0, 1, 1)

    def outer(i, carry):
        for sl in range(4):
            wait_in(sl)
            if sl == 0:
                pltpu.sync_copy(emb_hbm.at[pl.ds((seq0 + i * _K) * D, blk)], ebuf)

            def add_vec(j, _sl=sl):
                sv = pl.ds(j, _L)
                xb[_sl][sv] = xb[_sl][sv] + ebuf[sv]

            plsc.parallel_loop(0, blk, _L, unroll=16)(add_vec)
            start_out(i, sl, sl)

            if sl < 2:
                ns = sl + 2

                @pl.when(i >= 1)
                def _():
                    drain_out(ns)

                start_in(i, ns, ns)
            else:
                ns = sl - 2

                @pl.when(i < n_seq_blocks - 1)
                def _():
                    drain_out(ns)
                    start_in(i + 1, ns, ns)
        return carry

    lax.fori_loop(0, n_seq_blocks, outer, None)

    for sl in range(4):
        drain_out(sl)


def kernel(x, emb):
    B, S, D = x.shape
    xf = x.reshape(B * S * D)
    ef = emb[:S].reshape(S * D)
    mesh = plsc.VectorSubcoreMesh(core_axis_name="c", subcore_axis_name="s")
    k = pl.kernel(
        functools.partial(_sc_body, B, S, D),
        out_type=jax.ShapeDtypeStruct((B * S * D,), jnp.float32),
        mesh=mesh,
        scratch_types=(
            [pltpu.VMEM((_K * D,), jnp.float32)] * 5
            + [pltpu.SemaphoreType.DMA] * 8
        ),
    )
    return k(xf, ef).reshape(B, S, D)

# --- scband reference (transcript-rebuilt; emitter-appended) ---
"""Pipeline reference for scband-learnable-pos-embedding-6768868459120 (READ-ONLY COPY).

The authoritative reference and input builder live on the scoring server;
editing this copy changes nothing except your own understanding.
"""

import jax, jax.numpy as jnp
import numpy as np

DIM = 1024
MAX_SEQ_LEN = 8192
BATCH = 4
SEQ = 8192


def setup_inputs(seed: int = 0) -> dict:
    key = jax.random.key(seed)
    k1, k2 = jax.random.split(key)
    x = jax.random.normal(k1, (BATCH, SEQ, DIM), dtype=jnp.float32)
    emb = jax.random.normal(k2, (MAX_SEQ_LEN, DIM), dtype=jnp.float32) * 0.02
    return {"x": x, "emb": emb}


def reference(x, emb):
    # position_ids = buffer arange(max_seq_len)[: x.size(-2)]
    position_ids = jnp.arange(MAX_SEQ_LEN)[: x.shape[-2]]
    pos = jnp.take(emb, position_ids, axis=0)  # [seq, dim]
    return x + pos

if __name__ == "__main__":
    import jax
    _d = setup_inputs()
    print(jax.jit(kernel)(*tuple(_d.values())))

</pallas_src>

<mosaic_0001>
#map = affine_map<(d0, d1) -> (0)>
module attributes {stable_mosaic.version = 14 : i64} {
  func.func @_sc_body(%arg0: i32, %arg1: i32, %arg2: memref<33554432xf32, #tpu.memory_space<hbm>>, %arg3: memref<8388608xf32, #tpu.memory_space<hbm>>, %arg4: memref<33554432xf32, #tpu.memory_space<hbm>>, %arg5: memref<16384xf32, #tpu.memory_space<vmem>>, %arg6: memref<16384xf32, #tpu.memory_space<vmem>>, %arg7: memref<16384xf32, #tpu.memory_space<vmem>>, %arg8: memref<16384xf32, #tpu.memory_space<vmem>>, %arg9: memref<16384xf32, #tpu.memory_space<vmem>>, %arg10: memref<!tpu.dma_semaphore, #tpu.memory_space<semaphore_mem>>, %arg11: memref<!tpu.dma_semaphore, #tpu.memory_space<semaphore_mem>>, %arg12: memref<!tpu.dma_semaphore, #tpu.memory_space<semaphore_mem>>, %arg13: memref<!tpu.dma_semaphore, #tpu.memory_space<semaphore_mem>>, %arg14: memref<!tpu.dma_semaphore, #tpu.memory_space<semaphore_mem>>, %arg15: memref<!tpu.dma_semaphore, #tpu.memory_space<semaphore_mem>>, %arg16: memref<!tpu.dma_semaphore, #tpu.memory_space<semaphore_mem>>, %arg17: memref<!tpu.dma_semaphore, #tpu.memory_space<semaphore_mem>>) attributes {dimension_semantics = [#tpu.dimension_semantics<core_parallel>, #tpu.dimension_semantics<subcore_parallel>], iteration_bounds = array<i64: 2, 16>, scalar_prefetch = 0 : i64, scratch_operands = 13 : i64, tpu.core_type = #tpu.core_type<sc_vector_subcore>, window_params = [{transform_indices = #map}, {transform_indices = #map}, {transform_indices = #map}]} {
    %mul3A = arith.constant 2 : i32
    %mul3A_0 = arith.muli %arg1, %mul3A : i32
    %add3A = arith.addi %mul3A_0, %arg0 : i32
    %mul3A_1 = arith.constant 256 : i32
    %mul3A_2 = arith.muli %add3A, %mul3A_1 : i32
    %add3A_3 = arith.constant 0 : i32
    %add3A_4 = arith.addi %add3A_3, %mul3A_2 : i32
    %add3A_5 = arith.constant 0 : i32
    %add3A_6 = arith.addi %add3A_4, %add3A_5 : i32
    %mul3A_7 = arith.constant 1024 : i32
    %mul3A_8 = arith.muli %add3A_6, %mul3A_7 : i32
    %dma_start3A = tpu.memref_slice %arg2[%mul3A_8] : memref<33554432xf32, #tpu.memory_space<hbm>> -> memref<16384xf32, #tpu.memory_space<hbm>>
    %dma_start3A_9 = tpu.memref_slice %arg2[%mul3A_8] : memref<33554432xf32, #tpu.memory_space<hbm>> -> memref<16384xf32, #tpu.memory_space<hbm>>
    tpu.enqueue_dma source(%dma_start3A_9 : memref<16384xf32, #tpu.memory_space<hbm>>) target(%arg5 : memref<16384xf32, #tpu.memory_space<vmem>>) target_semaphore(%arg10 : memref<!tpu.dma_semaphore, #tpu.memory_space<semaphore_mem>>)
    %add3A_10 = arith.constant 8192 : i32
    %add3A_11 = arith.addi %add3A_10, %mul3A_2 : i32
    %add3A_12 = arith.constant 0 : i32
    %add3A_13 = arith.addi %add3A_11, %add3A_12 : i32
    %mul3A_14 = arith.constant 1024 : i32
    %mul3A_15 = arith.muli %add3A_13, %mul3A_14 : i32
    %dma_start3A_16 = tpu.memref_slice %arg2[%mul3A_15] : memref<33554432xf32, #tpu.memory_space<hbm>> -> memref<16384xf32, #tpu.memory_space<hbm>>
    %dma_start3A_17 = tpu.memref_slice %arg2[%mul3A_15] : memref<33554432xf32, #tpu.memory_space<hbm>> -> memref<16384xf32, #tpu.memory_space<hbm>>
    tpu.enqueue_dma source(%dma_start3A_17 : memref<16384xf32, #tpu.memory_space<hbm>>) target(%arg6 : memref<16384xf32, #tpu.memory_space<vmem>>) target_semaphore(%arg11 : memref<!tpu.dma_semaphore, #tpu.memory_space<semaphore_mem>>)
    %scan3A = arith.constant 0 : i32
    %scan3A_18 = arith.constant 16 : i32
    %scan3A_19 = arith.addi %scan3A, %scan3A_18 : i32
    %scan3A_20 = arith.constant 1 : i32
    scf.for %scan3A_37 = %scan3A to %scan3A_19 step %scan3A_20  : i32 {
      %dma_wait3A_38 = arith.constant 0 : i32
      %dma_wait3A_39 = tpu.memref_slice %arg2[%dma_wait3A_38] : memref<33554432xf32, #tpu.memory_space<hbm>> -> memref<16384xf32, #tpu.memory_space<hbm>>
      %dma_wait3A_40 = arith.constant 0 : i32
      %dma_wait3A_41 = tpu.memref_slice %arg2[%dma_wait3A_40] : memref<33554432xf32, #tpu.memory_space<hbm>> -> memref<16384xf32, #tpu.memory_space<hbm>>
      tpu.wait_dma2 semaphore(%arg10 : memref<!tpu.dma_semaphore, #tpu.memory_space<semaphore_mem>>) src(%dma_wait3A_41 : memref<16384xf32, #tpu.memory_space<hbm>>) dst(%arg5 : memref<16384xf32, #tpu.memory_space<vmem>>)
      %mul3A_42 = arith.constant 16 : i32
      %mul3A_43 = arith.muli %scan3A_37, %mul3A_42 : i32
      %add3A_44 = arith.addi %mul3A_2, %mul3A_43 : i32
      %mul3A_45 = arith.constant 1024 : i32
      %mul3A_46 = arith.muli %add3A_44, %mul3A_45 : i32
      "tpu.region"() ({
        %run_scoped3A = tpu.sem_alloc : memref<!tpu.dma_semaphore, #tpu.memory_space<semaphore_mem>>
        %dma_start3A_140 = tpu.memref_slice %arg3[%mul3A_46] : memref<8388608xf32, #tpu.memory_space<hbm>> -> memref<16384xf32, #tpu.memory_space<hbm>>
        %dma_start3A_141 = tpu.memref_slice %arg3[%mul3A_46] : memref<8388608xf32, #tpu.memory_space<hbm>> -> memref<16384xf32, #tpu.memory_space<hbm>>
        tpu.enqueue_dma source(%dma_start3A_141 : memref<16384xf32, #tpu.memory_space<hbm>>) target(%arg9 : memref<16384xf32, #tpu.memory_space<vmem>>) target_semaphore(%run_scoped3A : memref<!tpu.dma_semaphore, #tpu.memory_space<semaphore_mem>>)
        %dma_wait3A_142 = tpu.memref_slice %arg3[%mul3A_46] : memref<8388608xf32, #tpu.memory_space<hbm>> -> memref<16384xf32, #tpu.memory_space<hbm>>
        %dma_wait3A_143 = tpu.memref_slice %arg3[%mul3A_46] : memref<8388608xf32, #tpu.memory_space<hbm>> -> memref<16384xf32, #tpu.memory_space<hbm>>
        tpu.wait_dma2 semaphore(%run_scoped3A : memref<!tpu.dma_semaphore, #tpu.memory_space<semaphore_mem>>) src(%dma_wait3A_143 : memref<16384xf32, #tpu.memory_space<hbm>>) dst(%arg9 : memref<16384xf32, #tpu.memory_space<vmem>>)
        tpu.yield
      }) : () -> ()
      %parallel_loop3A = arith.constant 0 : i32
      %parallel_loop3A_47 = arith.constant 16384 : i32
      %parallel_loop3A_48 = arith.constant 16 : i32
      scf.for %parallel_loop3A_140 = %parallel_loop3A to %parallel_loop3A_47 step %parallel_loop3A_48  : i32 {
        %parallel_loop3A_141 = arith.index_cast %parallel_loop3A_140 : i32 to index
        %parallel_loop3A_142 = tpu.vector_load %arg5[%parallel_loop3A_141] {strides = array<i32>} : memref<16384xf32, #tpu.memory_space<vmem>>, vector<16xf32>,
        %parallel_loop3A_143 = vector.shape_cast %parallel_loop3A_142 : vector<16xf32> to vector<16xf32>
        %parallel_loop3A_144 = arith.index_cast %parallel_loop3A_140 : i32 to index
        %parallel_loop3A_145 = tpu.vector_load %arg9[%parallel_loop3A_144] {strides = array<i32>} : memref<16384xf32, #tpu.memory_space<vmem>>, vector<16xf32>,
        %parallel_loop3A_146 = vector.shape_cast %parallel_loop3A_145 : vector<16xf32> to vector<16xf32>
        %parallel_loop3A_147 = arith.addf %parallel_loop3A_143, %parallel_loop3A_146 : vector<16xf32>
        %parallel_loop3A_148 = arith.index_cast %parallel_loop3A_140 : i32 to index
        %parallel_loop3A_149 = tpu.vector_load %arg5[%parallel_loop3A_148] {strides = array<i32>} : memref<16384xf32, #tpu.memory_space<vmem>>, vector<16xf32>,
        %parallel_loop3A_150 = vector.shape_cast %parallel_loop3A_149 : vector<16xf32> to vector<16xf32>
        %parallel_loop3A_151 = vector.shape_cast %parallel_loop3A_147 : vector<16xf32> to vector<16xf32>
        tpu.vector_store %arg5[%parallel_loop3A_148], %parallel_loop3A_151 {strides = array<i32>} : memref<16384xf32, #tpu.memory_space<vmem>>, vector<16xf32>,
      } {sc.loop_unroll_factor = 16 : i64, sc.parallel_access}
      %add3A_49 = arith.constant 0 : i32
      %add3A_50 = arith.addi %add3A_49, %mul3A_2 : i32
      %mul3A_51 = arith.constant 16 : i32
      %mul3A_52 = arith.muli %scan3A_37, %mul3A_51 : i32
      %add3A_53 = arith.addi %add3A_50, %mul3A_52 : i32
      %mul3A_54 = arith.constant 1024 : i32
      %mul3A_55 = arith.muli %add3A_53, %mul3A_54 : i32
      %dma_start3A_56 = tpu.memref_slice %arg4[%mul3A_55] : memref<33554432xf32, #tpu.memory_space<hbm>> -> memref<16384xf32, #tpu.memory_space<hbm>>
      %dma_start3A_57 = tpu.memref_slice %arg4[%mul3A_55] : memref<33554432xf32, #tpu.memory_space<hbm>> -> memref<16384xf32, #tpu.memory_space<hbm>>
      tpu.enqueue_dma source(%arg5 : memref<16384xf32, #tpu.memory_space<vmem>>) target(%dma_start3A_57 : memref<16384xf32, #tpu.memory_space<hbm>>) target_semaphore(%arg14 : memref<!tpu.dma_semaphore, #tpu.memory_space<semaphore_mem>>)
      %ge3A = arith.constant 1 : i32
      %ge3A_58 = arith.cmpi sge, %scan3A_37, %ge3A : i32
      %convert_element_type3A = arith.extui %ge3A_58 : i1 to i32
      %cond3A = arith.constant 0 : i32
      %cond3A_59 = arith.cmpi ne, %convert_element_type3A, %cond3A : i32
      scf.if %cond3A_59 {
        %dma_wait3A_140 = arith.constant 0 : i32
        %dma_wait3A_141 = tpu.memref_slice %arg4[%dma_wait3A_140] : memref<33554432xf32, #tpu.memory_space<hbm>> -> memref<16384xf32, #tpu.memory_space<hbm>>
        %dma_wait3A_142 = arith.constant 0 : i32
        %dma_wait3A_143 = tpu.memref_slice %arg4[%dma_wait3A_142] : memref<33554432xf32, #tpu.memory_space<hbm>> -> memref<16384xf32, #tpu.memory_space<hbm>>
        tpu.wait_dma2 semaphore(%arg16 : memref<!tpu.dma_semaphore, #tpu.memory_space<semaphore_mem>>) src(%arg7 : memref<16384xf32, #tpu.memory_space<vmem>>) dst(%dma_wait3A_143 : memref<16384xf32, #tpu.memory_space<hbm>>)
      } else {
      }
      %add3A_60 = arith.constant 16384 : i32
      %add3A_61 = arith.addi %add3A_60, %mul3A_2 : i32
      %mul3A_62 = arith.constant 16 : i32
      %mul3A_63 = arith.muli %scan3A_37, %mul3A_62 : i32
      %add3A_64 = arith.addi %add3A_61, %mul3A_63 : i32
      %mul3A_65 = arith.constant 1024 : i32
      %mul3A_66 = arith.muli %add3A_64, %mul3A_65 : i32
      %dma_start3A_67 = tpu.memref_slice %arg2[%mul3A_66] : memref<33554432xf32, #tpu.memory_space<hbm>> -> memref<16384xf32, #tpu.memory_space<hbm>>
      %dma_start3A_68 = tpu.memref_slice %arg2[%mul3A_66] : memref<33554432xf32, #tpu.memory_space<hbm>> -> memref<16384xf32, #tpu.memory_space<hbm>>
      tpu.enqueue_dma source(%dma_start3A_68 : memref<16384xf32, #tpu.memory_space<hbm>>) target(%arg7 : memref<16384xf32, #tpu.memory_space<vmem>>) target_semaphore(%arg12 : memref<!tpu.dma_semaphore, #tpu.memory_space<semaphore_mem>>)
      %dma_wait3A_69 = arith.constant 0 : i32
      %dma_wait3A_70 = tpu.memref_slice %arg2[%dma_wait3A_69] : memref<33554432xf32, #tpu.memory_space<hbm>> -> memref<16384xf32, #tpu.memory_space<hbm>>
      %dma_wait3A_71 = arith.constant 0 : i32
      %dma_wait3A_72 = tpu.memref_slice %arg2[%dma_wait3A_71] : memref<33554432xf32, #tpu.memory_space<hbm>> -> memref<16384xf32, #tpu.memory_space<hbm>>
      tpu.wait_dma2 semaphore(%arg11 : memref<!tpu.dma_semaphore, #tpu.memory_space<semaphore_mem>>) src(%dma_wait3A_72 : memref<16384xf32, #tpu.memory_space<hbm>>) dst(%arg6 : memref<16384xf32, #tpu.memory_space<vmem>>)
      %parallel_loop3A_73 = arith.constant 0 : i32
      %parallel_loop3A_74 = arith.constant 16384 : i32
      %parallel_loop3A_75 = arith.constant 16 : i32
      scf.for %parallel_loop3A_140 = %parallel_loop3A_73 to %parallel_loop3A_74 step %parallel_loop3A_75  : i32 {
        %parallel_loop3A_141 = arith.index_cast %parallel_loop3A_140 : i32 to index
        %parallel_loop3A_142 = tpu.vector_load %arg6[%parallel_loop3A_141] {strides = array<i32>} : memref<16384xf32, #tpu.memory_space<vmem>>, vector<16xf32>,
        %parallel_loop3A_143 = vector.shape_cast %parallel_loop3A_142 : vector<16xf32> to vector<16xf32>
        %parallel_loop3A_144 = arith.index_cast %parallel_loop3A_140 : i32 to index
        %parallel_loop3A_145 = tpu.vector_load %arg9[%parallel_loop3A_144] {strides = array<i32>} : memref<16384xf32, #tpu.memory_space<vmem>>, vector<16xf32>,
        %parallel_loop3A_146 = vector.shape_cast %parallel_loop3A_145 : vector<16xf32> to vector<16xf32>
        %parallel_loop3A_147 = arith.addf %parallel_loop3A_143, %parallel_loop3A_146 : vector<16xf32>
        %parallel_loop3A_148 = arith.index_cast %parallel_loop3A_140 : i32 to index
        %parallel_loop3A_149 = tpu.vector_load %arg6[%parallel_loop3A_148] {strides = array<i32>} : memref<16384xf32, #tpu.memory_space<vmem>>, vector<16xf32>,
        %parallel_loop3A_150 = vector.shape_cast %parallel_loop3A_149 : vector<16xf32> to vector<16xf32>
        %parallel_loop3A_151 = vector.shape_cast %parallel_loop3A_147 : vector<16xf32> to vector<16xf32>
        tpu.vector_store %arg6[%parallel_loop3A_148], %parallel_loop3A_151 {strides = array<i32>} : memref<16384xf32, #tpu.memory_space<vmem>>, vector<16xf32>,
      } {sc.loop_unroll_factor = 16 : i64, sc.parallel_access}
      %add3A_76 = arith.constant 8192 : i32
      %add3A_77 = arith.addi %add3A_76, %mul3A_2 : i32
      %mul3A_78 = arith.constant 16 : i32
      %mul3A_79 = arith.muli %scan3A_37, %mul3A_78 : i32
      %add3A_80 = arith.addi %add3A_77, %mul3A_79 : i32
      %mul3A_81 = arith.constant 1024 : i32
      %mul3A_82 = arith.muli %add3A_80, %mul3A_81 : i32
      %dma_start3A_83 = tpu.memref_slice %arg4[%mul3A_82] : memref<33554432xf32, #tpu.memory_space<hbm>> -> memref<16384xf32, #tpu.memory_space<hbm>>
      %dma_start3A_84 = tpu.memref_slice %arg4[%mul3A_82] : memref<33554432xf32, #tpu.memory_space<hbm>> -> memref<16384xf32, #tpu.memory_space<hbm>>
      tpu.enqueue_dma source(%arg6 : memref<16384xf32, #tpu.memory_space<vmem>>) target(%dma_start3A_84 : memref<16384xf32, #tpu.memory_space<hbm>>) target_semaphore(%arg15 : memref<!tpu.dma_semaphore, #tpu.memory_space<semaphore_mem>>)
      %ge3A_85 = arith.constant 1 : i32
      %ge3A_86 = arith.cmpi sge, %scan3A_37, %ge3A_85 : i32
      %convert_element_type3A_87 = arith.extui %ge3A_86 : i1 to i32
      %cond3A_88 = arith.constant 0 : i32
      %cond3A_89 = arith.cmpi ne, %convert_element_type3A_87, %cond3A_88 : i32
      scf.if %cond3A_89 {
        %dma_wait3A_140 = arith.constant 0 : i32
        %dma_wait3A_141 = tpu.memref_slice %arg4[%dma_wait3A_140] : memref<33554432xf32, #tpu.memory_space<hbm>> -> memref<16384xf32, #tpu.memory_space<hbm>>
        %dma_wait3A_142 = arith.constant 0 : i32
        %dma_wait3A_143 = tpu.memref_slice %arg4[%dma_wait3A_142] : memref<33554432xf32, #tpu.memory_space<hbm>> -> memref<16384xf32, #tpu.memory_space<hbm>>
        tpu.wait_dma2 semaphore(%arg17 : memref<!tpu.dma_semaphore, #tpu.memory_space<semaphore_mem>>) src(%arg8 : memref<16384xf32, #tpu.memory_space<vmem>>) dst(%dma_wait3A_143 : memref<16384xf32, #tpu.memory_space<hbm>>)
      } else {
      }
      %add3A_90 = arith.constant 24576 : i32
      %add3A_91 = arith.addi %add3A_90, %mul3A_2 : i32
      %mul3A_92 = arith.constant 16 : i32
      %mul3A_93 = arith.muli %scan3A_37, %mul3A_92 : i32
      %add3A_94 = arith.addi %add3A_91, %mul3A_93 : i32
      %mul3A_95 = arith.constant 1024 : i32
      %mul3A_96 = arith.muli %add3A_94, %mul3A_95 : i32
      %dma_start3A_97 = tpu.memref_slice %arg2[%mul3A_96] : memref<33554432xf32, #tpu.memory_space<hbm>> -> memref<16384xf32, #tpu.memory_space<hbm>>
      %dma_start3A_98 = tpu.memref_slice %arg2[%mul3A_96] : memref<33554432xf32, #tpu.memory_space<hbm>> -> memref<16384xf32, #tpu.memory_space<hbm>>
      tpu.enqueue_dma source(%dma_start3A_98 : memref<16384xf32, #tpu.memory_space<hbm>>) target(%arg8 : memref<16384xf32, #tpu.memory_space<vmem>>) target_semaphore(%arg13 : memref<!tpu.dma_semaphore, #tpu.memory_space<semaphore_mem>>)
      %dma_wait3A_99 = arith.constant 0 : i32
      %dma_wait3A_100 = tpu.memref_slice %arg2[%dma_wait3A_99] : memref<33554432xf32, #tpu.memory_space<hbm>> -> memref<16384xf32, #tpu.memory_space<hbm>>
      %dma_wait3A_101 = arith.constant 0 : i32
      %dma_wait3A_102 = tpu.memref_slice %arg2[%dma_wait3A_101] : memref<33554432xf32, #tpu.memory_space<hbm>> -> memref<16384xf32, #tpu.memory_space<hbm>>
      tpu.wait_dma2 semaphore(%arg12 : memref<!tpu.dma_semaphore, #tpu.memory_space<semaphore_mem>>) src(%dma_wait3A_102 : memref<16384xf32, #tpu.memory_space<hbm>>) dst(%arg7 : memref<16384xf32, #tpu.memory_space<vmem>>)
      %parallel_loop3A_103 = arith.constant 0 : i32
      %parallel_loop3A_104 = arith.constant 16384 : i32
      %parallel_loop3A_105 = arith.constant 16 : i32
      scf.for %parallel_loop3A_140 = %parallel_loop3A_103 to %parallel_loop3A_104 step %parallel_loop3A_105  : i32 {
        %parallel_loop3A_141 = arith.index_cast %parallel_loop3A_140 : i32 to index
        %parallel_loop3A_142 = tpu.vector_load %arg7[%parallel_loop3A_141] {strides = array<i32>} : memref<16384xf32, #tpu.memory_space<vmem>>, vector<16xf32>,
        %parallel_loop3A_143 = vector.shape_cast %parallel_loop3A_142 : vector<16xf32> to vector<16xf32>
        %parallel_loop3A_144 = arith.index_cast %parallel_loop3A_140 : i32 to index
        %parallel_loop3A_145 = tpu.vector_load %arg9[%parallel_loop3A_144] {strides = array<i32>} : memref<16384xf32, #tpu.memory_space<vmem>>, vector<16xf32>,
        %parallel_loop3A_146 = vector.shape_cast %parallel_loop3A_145 : vector<16xf32> to vector<16xf32>
        %parallel_loop3A_147 = arith.addf %parallel_loop3A_143, %parallel_loop3A_146 : vector<16xf32>
        %parallel_loop3A_148 = arith.index_cast %parallel_loop3A_140 : i32 to index
        %parallel_loop3A_149 = tpu.vector_load %arg7[%parallel_loop3A_148] {strides = array<i32>} : memref<16384xf32, #tpu.memory_space<vmem>>, vector<16xf32>,
        %parallel_loop3A_150 = vector.shape_cast %parallel_loop3A_149 : vector<16xf32> to vector<16xf32>
        %parallel_loop3A_151 = vector.shape_cast %parallel_loop3A_147 : vector<16xf32> to vector<16xf32>
        tpu.vector_store %arg7[%parallel_loop3A_148], %parallel_loop3A_151 {strides = array<i32>} : memref<16384xf32, #tpu.memory_space<vmem>>, vector<16xf32>,
      } {sc.loop_unroll_factor = 16 : i64, sc.parallel_access}
      %add3A_106 = arith.constant 16384 : i32
      %add3A_107 = arith.addi %add3A_106, %mul3A_2 : i32
      %mul3A_108 = arith.constant 16 : i32
      %mul3A_109 = arith.muli %scan3A_37, %mul3A_108 : i32
      %add3A_110 = arith.addi %add3A_107, %mul3A_109 : i32
      %mul3A_111 = arith.constant 1024 : i32
      %mul3A_112 = arith.muli %add3A_110, %mul3A_111 : i32
      %dma_start3A_113 = tpu.memref_slice %arg4[%mul3A_112] : memref<33554432xf32, #tpu.memory_space<hbm>> -> memref<16384xf32, #tpu.memory_space<hbm>>
      %dma_start3A_114 = tpu.memref_slice %arg4[%mul3A_112] : memref<33554432xf32, #tpu.memory_space<hbm>> -> memref<16384xf32, #tpu.memory_space<hbm>>
      tpu.enqueue_dma source(%arg7 : memref<16384xf32, #tpu.memory_space<vmem>>) target(%dma_start3A_114 : memref<16384xf32, #tpu.memory_space<hbm>>) target_semaphore(%arg16 : memref<!tpu.dma_semaphore, #tpu.memory_space<semaphore_mem>>)
      %lt3A = arith.constant 15 : i32
      %lt3A_115 = arith.cmpi slt, %scan3A_37, %lt3A : i32
      %convert_element_type3A_116 = arith.extui %lt3A_115 : i1 to i32
      %cond3A_117 = arith.constant 0 : i32
      %cond3A_118 = arith.cmpi ne, %convert_element_type3A_116, %cond3A_117 : i32
      scf.if %cond3A_118 {
        %dma_wait3A_140 = arith.constant 0 : i32
        %dma_wait3A_141 = tpu.memref_slice %arg4[%dma_wait3A_140] : memref<33554432xf32, #tpu.memory_space<hbm>> -> memref<16384xf32, #tpu.memory_space<hbm>>
        %dma_wait3A_142 = arith.constant 0 : i32
        %dma_wait3A_143 = tpu.memref_slice %arg4[%dma_wait3A_142] : memref<33554432xf32, #tpu.memory_space<hbm>> -> memref<16384xf32, #tpu.memory_space<hbm>>
        tpu.wait_dma2 semaphore(%arg14 : memref<!tpu.dma_semaphore, #tpu.memory_space<semaphore_mem>>) src(%arg5 : memref<16384xf32, #tpu.memory_space<vmem>>) dst(%dma_wait3A_143 : memref<16384xf32, #tpu.memory_space<hbm>>)
        %add3A_144 = arith.constant 1 : i32
        %add3A_145 = arith.addi %scan3A_37, %add3A_144 : i32
        %add3A_146 = arith.constant 0 : i32
        %add3A_147 = arith.addi %add3A_146, %mul3A_2 : i32
        %mul3A_148 = arith.constant 16 : i32
        %mul3A_149 = arith.muli %add3A_145, %mul3A_148 : i32
        %add3A_150 = arith.addi %add3A_147, %mul3A_149 : i32
        %mul3A_151 = arith.constant 1024 : i32
        %mul3A_152 = arith.muli %add3A_150, %mul3A_151 : i32
        %dma_start3A_153 = tpu.memref_slice %arg2[%mul3A_152] : memref<33554432xf32, #tpu.memory_space<hbm>> -> memref<16384xf32, #tpu.memory_space<hbm>>
        %dma_start3A_154 = tpu.memref_slice %arg2[%mul3A_152] : memref<33554432xf32, #tpu.memory_space<hbm>> -> memref<16384xf32, #tpu.memory_space<hbm>>
        tpu.enqueue_dma source(%dma_start3A_154 : memref<16384xf32, #tpu.memory_space<hbm>>) target(%arg5 : memref<16384xf32, #tpu.memory_space<vmem>>) target_semaphore(%arg10 : memref<!tpu.dma_semaphore, #tpu.memory_space<semaphore_mem>>)
      } else {
      }
      %dma_wait3A_119 = arith.constant 0 : i32
      %dma_wait3A_120 = tpu.memref_slice %arg2[%dma_wait3A_119] : memref<33554432xf32, #tpu.memory_space<hbm>> -> memref<16384xf32, #tpu.memory_space<hbm>>
      %dma_wait3A_121 = arith.constant 0 : i32
      %dma_wait3A_122 = tpu.memref_slice %arg2[%dma_wait3A_121] : memref<33554432xf32, #tpu.memory_space<hbm>> -> memref<16384xf32, #tpu.memory_space<hbm>>
      tpu.wait_dma2 semaphore(%arg13 : memref<!tpu.dma_semaphore, #tpu.memory_space<semaphore_mem>>) src(%dma_wait3A_122 : memref<16384xf32, #tpu.memory_space<hbm>>) dst(%arg8 : memref<16384xf32, #tpu.memory_space<vmem>>)
      %parallel_loop3A_123 = arith.constant 0 : i32
      %parallel_loop3A_124 = arith.constant 16384 : i32
      %parallel_loop3A_125 = arith.constant 16 : i32
      scf.for %parallel_loop3A_140 = %parallel_loop3A_123 to %parallel_loop3A_124 step %parallel_loop3A_125  : i32 {
        %parallel_loop3A_141 = arith.index_cast %parallel_loop3A_140 : i32 to index
        %parallel_loop3A_142 = tpu.vector_load %arg8[%parallel_loop3A_141] {strides = array<i32>} : memref<16384xf32, #tpu.memory_space<vmem>>, vector<16xf32>,
        %parallel_loop3A_143 = vector.shape_cast %parallel_loop3A_142 : vector<16xf32> to vector<16xf32>
        %parallel_loop3A_144 = arith.index_cast %parallel_loop3A_140 : i32 to index
        %parallel_loop3A_145 = tpu.vector_load %arg9[%parallel_loop3A_144] {strides = array<i32>} : memref<16384xf32, #tpu.memory_space<vmem>>, vector<16xf32>,
        %parallel_loop3A_146 = vector.shape_cast %parallel_loop3A_145 : vector<16xf32> to vector<16xf32>
        %parallel_loop3A_147 = arith.addf %parallel_loop3A_143, %parallel_loop3A_146 : vector<16xf32>
        %parallel_loop3A_148 = arith.index_cast %parallel_loop3A_140 : i32 to index
        %parallel_loop3A_149 = tpu.vector_load %arg8[%parallel_loop3A_148] {strides = array<i32>} : memref<16384xf32, #tpu.memory_space<vmem>>, vector<16xf32>,
        %parallel_loop3A_150 = vector.shape_cast %parallel_loop3A_149 : vector<16xf32> to vector<16xf32>
        %parallel_loop3A_151 = vector.shape_cast %parallel_loop3A_147 : vector<16xf32> to vector<16xf32>
        tpu.vector_store %arg8[%parallel_loop3A_148], %parallel_loop3A_151 {strides = array<i32>} : memref<16384xf32, #tpu.memory_space<vmem>>, vector<16xf32>,
      } {sc.loop_unroll_factor = 16 : i64, sc.parallel_access}
      %add3A_126 = arith.constant 24576 : i32
      %add3A_127 = arith.addi %add3A_126, %mul3A_2 : i32
      %mul3A_128 = arith.constant 16 : i32
      %mul3A_129 = arith.muli %scan3A_37, %mul3A_128 : i32
      %add3A_130 = arith.addi %add3A_127, %mul3A_129 : i32
      %mul3A_131 = arith.constant 1024 : i32
      %mul3A_132 = arith.muli %add3A_130, %mul3A_131 : i32
      %dma_start3A_133 = tpu.memref_slice %arg4[%mul3A_132] : memref<33554432xf32, #tpu.memory_space<hbm>> -> memref<16384xf32, #tpu.memory_space<hbm>>
      %dma_start3A_134 = tpu.memref_slice %arg4[%mul3A_132] : memref<33554432xf32, #tpu.memory_space<hbm>> -> memref<16384xf32, #tpu.memory_space<hbm>>
      tpu.enqueue_dma source(%arg8 : memref<16384xf32, #tpu.memory_space<vmem>>) target(%dma_start3A_134 : memref<16384xf32, #tpu.memory_space<hbm>>) target_semaphore(%arg17 : memref<!tpu.dma_semaphore, #tpu.memory_space<semaphore_mem>>)
      %lt3A_135 = arith.constant 15 : i32
      %lt3A_136 = arith.cmpi slt, %scan3A_37, %lt3A_135 : i32
      %convert_element_type3A_137 = arith.extui %lt3A_136 : i1 to i32
      %cond3A_138 = arith.constant 0 : i32
      %cond3A_139 = arith.cmpi ne, %convert_element_type3A_137, %cond3A_138 : i32
      scf.if %cond3A_139 {
        %dma_wait3A_140 = arith.constant 0 : i32
        %dma_wait3A_141 = tpu.memref_slice %arg4[%dma_wait3A_140] : memref<33554432xf32, #tpu.memory_space<hbm>> -> memref<16384xf32, #tpu.memory_space<hbm>>
        %dma_wait3A_142 = arith.constant 0 : i32
        %dma_wait3A_143 = tpu.memref_slice %arg4[%dma_wait3A_142] : memref<33554432xf32, #tpu.memory_space<hbm>> -> memref<16384xf32, #tpu.memory_space<hbm>>
        tpu.wait_dma2 semaphore(%arg15 : memref<!tpu.dma_semaphore, #tpu.memory_space<semaphore_mem>>) src(%arg6 : memref<16384xf32, #tpu.memory_space<vmem>>) dst(%dma_wait3A_143 : memref<16384xf32, #tpu.memory_space<hbm>>)
        %add3A_144 = arith.constant 1 : i32
        %add3A_145 = arith.addi %scan3A_37, %add3A_144 : i32
        %add3A_146 = arith.constant 8192 : i32
        %add3A_147 = arith.addi %add3A_146, %mul3A_2 : i32
        %mul3A_148 = arith.constant 16 : i32
        %mul3A_149 = arith.muli %add3A_145, %mul3A_148 : i32
        %add3A_150 = arith.addi %add3A_147, %mul3A_149 : i32
        %mul3A_151 = arith.constant 1024 : i32
        %mul3A_152 = arith.muli %add3A_150, %mul3A_151 : i32
        %dma_start3A_153 = tpu.memref_slice %arg2[%mul3A_152] : memref<33554432xf32, #tpu.memory_space<hbm>> -> memref<16384xf32, #tpu.memory_space<hbm>>
        %dma_start3A_154 = tpu.memref_slice %arg2[%mul3A_152] : memref<33554432xf32, #tpu.memory_space<hbm>> -> memref<16384xf32, #tpu.memory_space<hbm>>
        tpu.enqueue_dma source(%dma_start3A_154 : memref<16384xf32, #tpu.memory_space<hbm>>) target(%arg6 : memref<16384xf32, #tpu.memory_space<vmem>>) target_semaphore(%arg11 : memref<!tpu.dma_semaphore, #tpu.memory_space<semaphore_mem>>)
      } else {
      }
    }
    %scan3A_21 = arith.constant 16 : i32
    %dma_wait3A = arith.constant 0 : i32
    %dma_wait3A_22 = tpu.memref_slice %arg4[%dma_wait3A] : memref<33554432xf32, #tpu.memory_space<hbm>> -> memref<16384xf32, #tpu.memory_space<hbm>>
    %dma_wait3A_23 = arith.constant 0 : i32
    %dma_wait3A_24 = tpu.memref_slice %arg4[%dma_wait3A_23] : memref<33554432xf32, #tpu.memory_space<hbm>> -> memref<16384xf32, #tpu.memory_space<hbm>>
    tpu.wait_dma2 semaphore(%arg14 : memref<!tpu.dma_semaphore, #tpu.memory_space<semaphore_mem>>) src(%arg5 : memref<16384xf32, #tpu.memory_space<vmem>>) dst(%dma_wait3A_24 : memref<16384xf32, #tpu.memory_space<hbm>>)
    %dma_wait3A_25 = arith.constant 0 : i32
    %dma_wait3A_26 = tpu.memref_slice %arg4[%dma_wait3A_25] : memref<33554432xf32, #tpu.memory_space<hbm>> -> memref<16384xf32, #tpu.memory_space<hbm>>
    %dma_wait3A_27 = arith.constant 0 : i32
    %dma_wait3A_28 = tpu.memref_slice %arg4[%dma_wait3A_27] : memref<33554432xf32, #tpu.memory_space<hbm>> -> memref<16384xf32, #tpu.memory_space<hbm>>
    tpu.wait_dma2 semaphore(%arg15 : memref<!tpu.dma_semaphore, #tpu.memory_space<semaphore_mem>>) src(%arg6 : memref<16384xf32, #tpu.memory_space<vmem>>) dst(%dma_wait3A_28 : memref<16384xf32, #tpu.memory_space<hbm>>)
    %dma_wait3A_29 = arith.constant 0 : i32
    %dma_wait3A_30 = tpu.memref_slice %arg4[%dma_wait3A_29] : memref<33554432xf32, #tpu.memory_space<hbm>> -> memref<16384xf32, #tpu.memory_space<hbm>>
    %dma_wait3A_31 = arith.constant 0 : i32
    %dma_wait3A_32 = tpu.memref_slice %arg4[%dma_wait3A_31] : memref<33554432xf32, #tpu.memory_space<hbm>> -> memref<16384xf32, #tpu.memory_space<hbm>>
    tpu.wait_dma2 semaphore(%arg16 : memref<!tpu.dma_semaphore, #tpu.memory_space<semaphore_mem>>) src(%arg7 : memref<16384xf32, #tpu.memory_space<vmem>>) dst(%dma_wait3A_32 : memref<16384xf32, #tpu.memory_space<hbm>>)
    %dma_wait3A_33 = arith.constant 0 : i32
    %dma_wait3A_34 = tpu.memref_slice %arg4[%dma_wait3A_33] : memref<33554432xf32, #tpu.memory_space<hbm>> -> memref<16384xf32, #tpu.memory_space<hbm>>
    %dma_wait3A_35 = arith.constant 0 : i32
    %dma_wait3A_36 = tpu.memref_slice %arg4[%dma_wait3A_35] : memref<33554432xf32, #tpu.memory_space<hbm>> -> memref<16384xf32, #tpu.memory_space<hbm>>
    tpu.wait_dma2 semaphore(%arg17 : memref<!tpu.dma_semaphore, #tpu.memory_space<semaphore_mem>>) src(%arg8 : memref<16384xf32, #tpu.memory_space<vmem>>) dst(%dma_wait3A_36 : memref<16384xf32, #tpu.memory_space<hbm>>)
    return
  }
}

</mosaic_0001>

<sc_bundles>
// kernel: kernel.3.cloned.1.call-start
scs
__scs_entry_jumppad:
0x0: {  	(pc) =	sbr.rel $0x88, $3  }
0x1: {  	(tag) =	ssettag $0x0;
	lr =	simm.s32 $0x1  }
0x2: {  	[smem:$0x3F9F] =	sst lr;
	_ =	strace $0xD0000000  }
0x3: {  	_ = 	snop  }
0x4: {  	_ = 	snop  }
0x5: {  	_ = 	snop  }
0x6: {  	_ = 	snop  }
0x7: {  	_ = 	snop  }
__scs_overlays_trampoline_lowered:
0x8: {  	[smem:$0x3FAE] =	sst s0  }
0x9: {  	[smem:$0x3FAF] =	sst s1  }
0xa: {  	[smem:$0x3FB0] =	sst s2  }
0xb: {  	[smem:$0x3FB1] =	sst s3  }
0xc: {  	[smem:$0x3FB2] =	sst s4  }
0xd: {  	[smem:$0x3FB3] =	sst s5  }
0xe: {  	[smem:$0x3FB4] =	sst s6  }
0xf: {  	[smem:$0x3FB5] =	sst s7  }
0x10: {  	[smem:$0x3FB6] =	sst s8  }
0x11: {  	[smem:$0x3FB7] =	sst s9;
	s0 =	simm.s32 @!p0 $0x0  }
0x12: {  	s1 =	sld [smem:$0x3F9D];
	s0 =	simm.s32 @p0 $0x1  }
0x13: {  	[smem:$0x3FB8] =	sst s0;
	s0 =	simm.s32 @!p1 $0x0  }
0x14: {  	s2 =	sld [smem:$0x3F9C];
	s0 =	simm.s32 @p1 $0x1  }
0x15: {  	[smem:$0x3FB9] =	sst s0;
	s0 =	simm.s32 @!p2 $0x0  }
0x16: {  	s3 =	sld [smem:$0x3FDB];
	s0 =	simm.s32 @p2 $0x1  }
0x17: {  	s4 =	simm.s32 $0x1BF5;
	[smem:$0x3FBB] =	sst s0  }
0x18: {  	s0 =	sld [smem:$0x3F9E];
	_ =	swait.ge [sflag:s4], $0x0  }
0x19: {  	s7 =	sld [smem:$0x3F9F]  }
0x1a: {  	s8 =	sadd.s32 $0xFFFFE003, lr  }
0x1b: {  	s9 =	sadd.s32 $0xFFFFFEF7, lr;
	s5 =	simm.s32 $0xFFFFFFFF;
	p2 =	slt.u32 s8, $0xFFFFF086  }
0x1c: {  	p1 =	slt.u32 s9, $0xF7A;
	s5 =	simm.s32 @!p2 $0x0  }
0x1d: {  	s5 =	simm.s32 @p1 $0x1;
	p0 =	seq.s32 s7, s2  }
0x1e: {  	s7 =	smul.u32 @!p0 $0xF7A, s2;
	p2 =	seq.s32 @!p0 s5, $0x0  }
0x1f: {  	s9 =	smul.u32 $0xF7A, s1;
	s8 =	simm.s32 @!p0 $0x1BF5;
	p2 =	por !p2, p0  }
0x20: {  	[sflag:s8] =	ssyncset.s32 @!p0 $0xFFFFF086;
	s6 =	sadd.s32 @!p0 s3, s7;
	s7 =	simm.s32 @!p0 $0x108  }
0x21: {  	s3 =	sadd.s32 s3, s9;
	s6 =	sadd.s32 @!p0 $0x88, s6;
	s7 =	simm.s32 @p2 $0x1082  }
0x22: {  	[simem:s7], [sflag:s8] =	dma.local @!p0 [hbm:s6], $0xF7A  }
0x23: {  	s9 =	sor.u32 $0xD0000000, s2;
	s6 =	simm.s32 $0x108;
	_ =	swait.ge @!p0 [sflag:s8], $0x0  }
0x24: {  	s3 =	sadd.s32 $0x88, s3;
	s6 =	simm.s32 @!p1 $0x1082;
	[sflag:s4] =	ssyncset.s32 $0xFFFFF086  }
0x25: {  	[simem:s6], [sflag:s4] =	dma.local [hbm:s3], $0xF7A  }
0x26: {  	[smem:$0x3F9F] =	sst s1;
	(tag) =	ssettag s2;
	_ =	strace s9  }
0x27: {  	s1 =	sld [smem:$0x3FAF]  }
0x28: {  	s2 =	sld [smem:$0x3FB0]  }
0x29: {  	s4 =	sld [smem:$0x3FB2]  }
0x2a: {  	p0 =	seq.s32 s5, $0x0;
	s5 =	sld [smem:$0x3FB3]  }
0x2b: {  	s6 =	sld [smem:$0x3FB4]  }
0x2c: {  	s7 =	sld [smem:$0x3FB5]  }
0x2d: {  	s3 =	simm.s32 $0x108;
	s8 =	sld [smem:$0x3FB6]  }
0x2e: {  	s3 =	simm.s32 @!p0 $0x1082;
	s9 =	sld [smem:$0x3FB7]  }
0x2f: {  	lr =	sadd.s32 s0, s3;
	s0 =	sld [smem:$0x3FAE]  }
0x30: {  	s3 =	sld [smem:$0x3FB1]  }
0x31: {  	[smem:$0x3FBA] =	sst s10  }
0x32: {  	s10 =	sld [smem:$0x3FB8];
	_ =	sdelay $0x3  }
0x33: {  	p0 =	seq.s32 s10, $0x1;
	s10 =	sld [smem:$0x3FBA];
	_ =	sdelay $0x3  }
0x34: {  	[smem:$0x3FBA] =	sst s10  }
0x35: {  	s10 =	sld [smem:$0x3FB9];
	_ =	sdelay $0x3  }
0x36: {  	p1 =	seq.s32 s10, $0x1;
	s10 =	sld [smem:$0x3FBA];
	_ =	sdelay $0x3  }
0x37: {  	[smem:$0x3FBA] =	sst s10  }
0x38: {  	s10 =	sld [smem:$0x3FBB]  }
0x39: {  	_ = 	snop;
	(pc) =	sbr.ind lr, $3  }
0x3a: {  	_ = 	snop  }
0x3b: {  	_ = 	snop  }
0x3c: {  	p2 =	seq.s32 s10, $0x1;
	s10 =	sld [smem:$0x3FBA]  }
0x3d: {  	_ =	shalt  }
0x3e: {  	_ =	shalt  }
0x3f: {  	_ =	shalt  }
0x40: {  	_ =	shalt  }
0x41: {  	_ =	shalt  }
0x42: {  	_ =	shalt  }
0x43: {  	_ =	shalt  }
0x44: {  	_ =	shalt  }
0x45: {  	_ =	shalt  }
0x46: {  	_ =	shalt  }
0x47: {  	_ =	shalt  }
0x48: {  	_ =	shalt  }
0x49: {  	_ =	shalt  }
0x4a: {  	_ =	shalt  }
0x4b: {  	_ =	shalt  }
0x4c: {  	_ =	shalt  }
0x4d: {  	_ =	shalt  }
0x4e: {  	_ =	shalt  }
0x4f: {  	_ =	shalt  }
0x50: {  	_ =	shalt  }
0x51: {  	_ =	shalt  }
0x52: {  	_ =	shalt  }
0x53: {  	_ =	shalt  }
0x54: {  	_ =	shalt  }
0x55: {  	_ =	shalt  }
0x56: {  	_ =	shalt  }
0x57: {  	_ =	shalt  }
0x58: {  	_ =	shalt  }
0x59: {  	_ =	shalt  }
0x5a: {  	_ =	shalt  }
0x5b: {  	_ =	shalt  }
0x5c: {  	_ =	shalt  }
0x5d: {  	_ =	shalt  }
0x5e: {  	_ =	shalt  }
0x5f: {  	_ =	shalt  }
0x60: {  	_ =	shalt  }
0x61: {  	_ =	shalt  }
0x62: {  	_ =	shalt  }
0x63: {  	_ =	shalt  }
0x64: {  	_ =	shalt  }
0x65: {  	_ =	shalt  }
0x66: {  	_ =	shalt  }
0x67: {  	_ =	shalt  }
0x68: {  	_ =	shalt  }
0x69: {  	_ =	shalt  }
0x6a: {  	_ =	shalt  }
0x6b: {  	_ =	shalt  }
0x6c: {  	_ =	shalt  }
0x6d: {  	_ =	shalt  }
0x6e: {  	_ =	shalt  }
0x6f: {  	_ =	shalt  }
0x70: {  	_ =	shalt  }
0x71: {  	_ =	shalt  }
0x72: {  	_ =	shalt  }
0x73: {  	_ =	shalt  }
0x74: {  	_ =	shalt  }
0x75: {  	_ =	shalt  }
0x76: {  	_ =	shalt  }
0x77: {  	_ =	shalt  }
0x78: {  	_ =	shalt  }
0x79: {  	_ =	shalt  }
0x7a: {  	_ =	shalt  }
0x7b: {  	_ =	shalt  }
0x7c: {  	_ =	shalt  }
0x7d: {  	_ =	shalt  }
0x7e: {  	_ =	shalt  }
0x7f: {  	_ =	shalt  }
0x80: {  	_ =	shalt  }
0x81: {  	_ =	shalt  }
0x82: {  	_ =	shalt  }
0x83: {  	_ =	shalt  }
0x84: {  	_ =	shalt  }
0x85: {  	_ =	shalt  }
0x86: {  	_ =	shalt  }
0x87: {  	_ =	shalt  }
.Lfunc_end0:
.L_simem_size_0:
called_computation.2_lowered:
.L_overlay_start_0:
0x88: {  	s2 =	sld [smem:$0x3FD9]  }
0x89: {  	s3 =	sld [smem:$0x3FFE];
	_ =	sdelay $0x1  }
0x8a: {  	s1 =	srdreg.scid  }
0x8b: {  	s0 =	sand.u32 $0x1, s1  }
0x8c: {  	s17 =	sshll.u32 s0, $0xA;
	s2 =	sadd.s32 s3, s2  }
0x8d: {  	s2 =	sadd.s32 s2, s17  }
0x8e: {  	[smem:$0x3FC6] =	sst s2  }
0x8f: {  	_ = 	snop  }
0x90: {  	s2 =	sld [smem:$0x3FD0];
	(tm) =	ssettm $0x1  }
0x91: {  	s18 =	sld [smem:$0x3FFB];
	_ =	sdelay $0x3  }
0x92: {  	_ =	strace s18  }
0x93: {  	s3 =	sld [smem:$0x3FFC];
	_ =	sdelay $0x3  }
0x94: {  	_ =	strace s3  }
0x95: {  	s3 =	sld [smem:$0x3FFD];
	_ =	sdelay $0x3  }
0x96: {  	_ =	strace s3  }
0x97: {  	_ =	strace $0x8FFFFFFF  }
0x98: {  	s19 =	sld [smem:$0x3FDB];
	_ =	sdelay $0x1  }
0x99: {  	s4 =	simm.s32 $_scs_section_size  }
0x9a: {  	s5 =	simm.s32 $_size__tile_overlayer_lowered;
	s6 =	simm.s32 $_tile_overlayer_lowered  }
0x9b: {  	s22 =	simm.s32 $0x1BFF;
	s21 =	sshll.u32 s6, $0x1;
	s3 =	sadd.s32 s4, s19  }
0x9c: {  	s7 =	simm.s32 $0x0;
	s20 =	sshll.u32 s5, $0x1;
	s5 =	sadd.s32 s21, s3  }
0x9d: {  	[timem:s7], [sflag:s22] =	dma.local [hbm:s5], s20  }
0x9e: {  	_ =	swait.ge [sflag:s22], s20  }
0x9f: {  	s4 =	ssub.s32 $0x0, s20;
	[sflag:s22] =	ssyncset.done $0x0  }
0xa0: {  	[sflag:s22] =	ssyncadd.s32 s4;
	_ =	sdelay $0x1  }
0xa1: {  	s23 =	simm.s32 $0x1B8B  }
0xa2: {  	_ =	swait.ge [sflag:s23], $0x1  }
0xa3: {  	[sflag:s23] =	ssyncset.done $0x0  }
0xa4: {  	s25 =	simm.s32 $0x1B8E;
	s24 =	sld [smem:$0x3FFE];
	[sflag:s23] =	ssyncadd.s32 $0xFFFFFFFF  }
0xa5: {  	s26 =	simm.s32 $execute0_lowered;
	[smem:$0x3FD2] =	sst s25  }
0xa6: {  	s5 =	sshll.u32 s26, $0x1;
	_ =	strace $0x8000004C;
	[dreg:$0x1] =	wrdreg $0xFFFFFFFF  }
0xa7: {  	s28 =	simm.s32 $_size_execute0_lowered;
	s3 =	sadd.s32 s3, s5;
	[dreg:$0x0] =	wrdreg $0x0  }
0xa8: {  	s5 =	sshll.u32 s28, $0x1;
	[dreg:$0x2] =	wrdreg s3  }
0xa9: {  	[dreg:$0x3] =	wrdreg s5  }
0xaa: {  	[dreg:$0x4] =	wrdreg $0xC0  }
0xab: {  	_ =	task [dreg:s7], $0x5FFFF  }
0xac: {  	[dreg:$0x1] =	wrdreg $0xFFFFFFFF  }
0xad: {  	[dreg:$0x0] =	wrdreg $0x60  }
0xae: {  	[dreg:$0x2] =	wrdreg s2  }
0xaf: {  	[dreg:$0x3] =	wrdreg s24  }
0xb0: {  	[dreg:$0x4] =	wrdreg $0x9  }
0xb1: {  	_ =	task.clear_ibuf [dreg:s7], $0x5FFFF;
	_ =	strace $0x9000004C  }
0xb2: {  	s29 =	simm.s32 $0x9;
	_ =	strace $0x8000004E  }
0xb3: {  	_ =	swait.ge [sflag:s29], $0x1  }
0xb4: {  	[sflag:s29] =	ssyncadd.s32 $0xFFFFFFFF  }
0xb5: {  	_ =	strace $0x9000004E  }
0xb6: {  	_ =	sfence  }
0xb7: {  	s30 =	sld [smem:$0x0];
	_ =	sdelay $0x2  }
0xb8: {  	s31 =	sshll.u32 s1, $0xD;
	s1 =	sshrl.u32 s1, $0x2  }
0xb9: {  	s3 =	sand.u32 $0x4000, s31;
	s1 =	sadd.s32 s1, s30  }
0xba: {  	s0 =	sor.u32 s3, s0;
	s1 =	sshll.u32 s1, $0x11  }
0xbb: {  	s0 =	sor.u32 s1, s0  }
0xbc: {  	s0 =	sadd.s32 $0x8F2B, s0  }
0xbd: {  	[sflag:s0] =	ssyncadd.remote.s32 $0x1  }
0xbe: {  	_ =	sfence.sel $0xFFFF  }
0xbf: {  	[dreg:$0x0] =	wrdreg $0xFFFFFFFF;
	(pc) =	sbr.abs _section_cstart, $3  }
0xc0: {  	[dreg:$0x1] =	wrdreg $0xFFFFFFFF  }
0xc1: {  	_ =	task.clear_ibuf [dreg:s7], $0x2FFFF;
	_ =	strace $0x9FFFFFFF  }
0xc2: {  	(tm) =	ssettm $0x7FFFFFFF  }
0xc3: {  	_ =	shalt  }
tec
execute0_lowered:
.L_overlay_start_1:
0x0: {  	(tag) =	ssettag $0x1  }
0x1: {  	s1 =	rddreg [dreg:$0x0]  }
0x2: {  	s0 =	rddreg [dreg:$0x1]  }
0x3: {  	s3 =	simm.s32 $0x0;
	s2 =	srdreg.scid;
	s4 =	stileid.u32  }
0x4: {  	s13 =	simm.s32 $0x4000;
	s14 =	simm.s32 $0x1;
	s15 =	simm.s32 $0x10000  }
0x5: {  	s16 =	simm.s32 $0x9;
	s17 =	simm.s32 $0x8000;
	s18 =	simm.s32 $0x2  }
0x6: {  	s19 =	simm.s32 $0xC000;
	s20 =	simm.s32 $0x3;
	s21 =	simm.s32 $0x4  }
0x7: {  	s22 =	simm.s32 $0x5;
	s23 =	simm.s32 $0x6;
	s24 =	simm.s32 $0x7  }
0x8: {  	s25 =	simm.s32 $0x8;
	s26 =	simm.s32 $0x0;
	[smem:$0x7FF] =	sst s3  }
0x9: {  	s2 =	sand.u32 $0x1, s2;
	s5 =	sshll.u32 s4, $0x1;
	s4 =	sadd.s32 $0xC00, s0  }
0xa: {  	_ =	strace $0x8000004D;
	s7 =	sor.u32 s2, s5;
	s5 =	sadd.s32 $0x100C00, s0  }
.Ltmp0:
0xb: {  	s29 =	ssub.s32 $0x2, s2;
	s6 =	sshll.u32 s7, $0x8;
	(pc) =	sbr.rel .LBB2_1-.Ltmp0, $4  }
0xc: {  	s2 =	sshrl.u32 s29, $0x1;
	s8 =	sshll.u32 s7, $0xF;
	s7 =	sor.u32 $0x2000, s6  }
0xd: {  	s0 =	ssub.s32 s29, s2;
	s30 =	sadd.s32 s1, s8;
	s31 =	sshll.u32 s7, $0x7  }
0xe: {  	s10 =	sor.u32 $0x10, s6;
	[dreg:$0x3] =	wrdreg s30;
	s2 =	sadd.s32 s1, s31  }
0xf: {  	s11 =	sor.u32 $0x2010, s6;
	s12 =	smax.u32 s0, $0x1;
	[dreg:$0x4] =	wrdreg s2  }
.LBB2_12:
0x10: {  	_ =	swait.ge [sflag:s22], $0x4000  }
0x11: {  	[sflag:s22] =	ssyncset.done $0x0  }
0x12: {  	[sflag:s22] =	ssyncadd.s32 $0xFFFFC000  }
0x13: {  	_ =	swait.ge [sflag:s23], $0x4000  }
0x14: {  	[sflag:s23] =	ssyncset.done $0x0  }
0x15: {  	s26 =	sadd.s32 $0x1, s26;
	[sflag:s23] =	ssyncadd.s32 $0xFFFFC000  }
0x16: {  	p0 =	sne.s32 s26, s12;
	_ =	swait.ge [sflag:s24], $0x4000  }
.Ltmp1:
0x17: {  	[sflag:s24] =	ssyncset.done $0x0;
	(pc) =	sbr.rel @!p0 .LBB2_13-.Ltmp1, $4  }
0x18: {  	[sflag:s24] =	ssyncadd.s32 $0xFFFFC000  }
0x19: {  	_ =	swait.ge [sflag:s25], $0x4000  }
0x1a: {  	[sflag:s25] =	ssyncset.done $0x0  }
0x1b: {  	[sflag:s25] =	ssyncadd.s32 $0xFFFFC000  }
.LBB2_1:
0x1c: {  	s0 =	rddreg [dreg:$0x3]  }
0x1d: {  	[tilespmem:s3], [sflag:$0x1] =	stream.linear.gather [hbm4b:s0+s3], $0x4000, $0x38;
	[tilespmem:$0x14000] =	vst v63  }
0x1e: {  	s31 =	rddreg [dreg:$0x4];
	s28 =	simm.s32 $0x0  }
0x1f: {  	[tilespmem:s13], [sflag:$0x2] =	stream.linear.gather [hbm4b:s31+s3], $0x4000, $0x38;
	[tilespmem:$0x14000] =	vst v63  }
.LBB2_2:
0x20: {  	s29 =	sshll.u32 s28, $0x4  }
0x21: {  	_ =	swait.ge [sflag:s14], $0x4000;
	s0 =	sor.u32 s6, s29  }
0x22: {  	[sflag:s14] =	ssyncset.done $0x0;
	s30 =	sshll.u32 s0, $0x7  }
0x23: {  	[sflag:s14] =	ssyncadd.s32 $0xFFFFC000;
	s0 =	sadd.s32 s4, s30  }
0x24: {  	[tilespmem:s15], [sflag:$0x9] =	stream.linear.gather [hbm4b:s0+s3], $0x4000, $0x38;
	[tilespmem:$0x14000] =	vst v63  }
0x25: {  	_ =	swait.ge [sflag:s16], $0x4000  }
0x26: {  	[sflag:s16] =	ssyncset.done $0x0  }
0x27: {  	s0 =	simm.s32 $0x80;
	[sflag:s16] =	ssyncadd.s32 $0xFFFFC000  }
0x28: {  	s31 =	simm.s32 $0x10080;
	v1 =	vld [tilespmem:s0+$0x70]  }
0x29: {  	v2 =	vld [tilespmem:s31+$0x70]  }
0x2a: {  	v0 =	vld [tilespmem:s31+$0xFFFFFF80]  }
0x2b: {  	v3 =	vld [tilespmem:s0+$0xFFFFFF90]  }
0x2c: {  	v4 =	vld [tilespmem:s31+$0xFFFFFF90]  }
0x2d: {  	v5 =	vld [tilespmem:s0+$0xFFFFFFA0]  }
0x2e: {  	v6 =	vld [tilespmem:s31+$0xFFFFFFA0]  }
0x2f: {  	v7 =	vld [tilespmem:s0+$0xFFFFFFB0]  }
0x30: {  	v8 =	vld [tilespmem:s31+$0xFFFFFFB0]  }
0x31: {  	v9 =	vld [tilespmem:s0+$0xFFFFFFC0]  }
0x32: {  	v10 =	vld [tilespmem:s31+$0xFFFFFFC0]  }
0x33: {  	v11 =	vld [tilespmem:s0+$0xFFFFFFD0]  }
0x34: {  	v12 =	vld [tilespmem:s31+$0xFFFFFFD0]  }
0x35: {  	v13 =	vld [tilespmem:s0+$0xFFFFFFE0]  }
0x36: {  	v14 =	vld [tilespmem:s31+$0xFFFFFFE0]  }
0x37: {  	v15 =	vld [tilespmem:s0+$0xFFFFFFF0]  }
0x38: {  	v16 =	vld [tilespmem:s31+$0xFFFFFFF0]  }
0x39: {  	v17 =	vld [tilespmem:s0+$0x0]  }
0x3a: {  	v61 =	vld [tilespmem:s31+$0x30];
	v1 =	vadd.f32 v2, v1  }
0x3b: {  	v2 =	vld [tilespmem:s31+$0x0];
	v3 =	vadd.f32 v4, v3  }
0x3c: {  	v4 =	vld [tilespmem:s0+$0x10];
	[tilespmem:s0+$0x70] =	vst v1;
	v1 =	vadd.f32 v6, v5  }
0x3d: {  	v5 =	vld [tilespmem:s31+$0x10];
	[tilespmem:s0+$0xFFFFFF90] =	vst v3;
	v3 =	vadd.f32 v8, v7  }
0x3e: {  	v6 =	vld [tilespmem:s0+$0x20];
	[tilespmem:s0+$0xFFFFFFA0] =	vst v1;
	v1 =	vadd.f32 v10, v9  }
0x3f: {  	v7 =	vld [tilespmem:s31+$0x20];
	[tilespmem:s0+$0xFFFFFFB0] =	vst v3;
	v3 =	vadd.f32 v12, v11  }
0x40: {  	v8 =	vld [tilespmem:s0+$0x30];
	v2 =	vadd.f32 v2, v17;
	[tilespmem:s0+$0xFFFFFFC0] =	vst v1  }
0x41: {  	v62 =	vld [tilespmem:s0+$0x40];
	v1 =	vadd.f32 v14, v13;
	[tilespmem:s0+$0xFFFFFFD0] =	vst v3  }
0x42: {  	v63 =	vld [tilespmem:s31+$0x40];
	v3 =	vadd.f32 v16, v15;
	[tilespmem:s0+$0x0] =	vst v2  }
0x43: {  	v4 =	vadd.f32 v5, v4;
	[tilespmem:s0+$0xFFFFFFE0] =	vst v1;
	v1 =	vld [tilespmem:s0+$0x50]  }
0x44: {  	v5 =	vadd.f32 v7, v6;
	[tilespmem:s0+$0xFFFFFFF0] =	vst v3;
	v3 =	vld [tilespmem:s31+$0x50]  }
0x45: {  	v6 =	vadd.f32 v61, v8;
	v2 =	vld [tilespmem:s0+$0x60];
	[tilespmem:s0+$0x10] =	vst v4  }
0x46: {  	[tilespmem:s0+$0x20] =	vst v5;
	v5 =	vld [tilespmem:s31+$0x60]  }
0x47: {  	s2 =	simm.s32 $0x0;
	s8 =	simm.s32 $0x180;
	v4 =	vld [tilespmem:s0+$0xFFFFFF80];
	[tilespmem:s0+$0x30] =	vst v6;
	v6 =	vadd.f32 v63, v62  }
.LBB2_3:
0x48: {  	v7 =	vld [tilespmem:s8+$0x70];
	s31 =	sadd.s32 $0x100, s31  }
0x49: {  	s2 =	sadd.s32 $0x100, s2;
	v8 =	vld [tilespmem:s31+$0x70];
	[tilespmem:s0+$0x40] =	vst v6;
	v1 =	vadd.f32 v3, v1  }
0x4a: {  	p0 =	slt.u32 s2, $0x3F00;
	v3 =	vld [tilespmem:s31+$0xFFFFFF80]  }
0x4b: {  	v6 =	vld [tilespmem:s8+$0xFFFFFF90];
	[tilespmem:s0+$0x50] =	vst v1;
	v1 =	vadd.f32 v5, v2  }
0x4c: {  	v2 =	vld [tilespmem:s31+$0xFFFFFF90];
	v9 =	vadd.f32 v0, v4  }
0x4d: {  	v4 =	vld [tilespmem:s8+$0xFFFFFFA0];
	[tilespmem:s0+$0x60] =	vst v1  }
0x4e: {  	v1 =	vld [tilespmem:s31+$0xFFFFFFA0];
	v5 =	vadd.f32 v8, v7;
	[tilespmem:s0+$0xFFFFFF80] =	vst v9;
	s0 =	smov.u32 s8  }
0x4f: {  	v7 =	vld [tilespmem:s8+$0xFFFFFFB0];
	v0 =	vmov v3  }
0x50: {  	v3 =	vld [tilespmem:s31+$0xFFFFFFB0];
	[tilespmem:s8+$0x70] =	vst v5  }
0x51: {  	v2 =	vadd.f32 v2, v6;
	v5 =	vld [tilespmem:s8+$0xFFFFFFC0]  }
0x52: {  	v6 =	vld [tilespmem:s31+$0xFFFFFFC0]  }
0x53: {  	[tilespmem:s8+$0xFFFFFF90] =	vst v2;
	v1 =	vadd.f32 v1, v4;
	v2 =	vld [tilespmem:s8+$0xFFFFFFD0]  }
0x54: {  	v4 =	vld [tilespmem:s31+$0xFFFFFFD0]  }
0x55: {  	[tilespmem:s8+$0xFFFFFFA0] =	vst v1;
	v1 =	vadd.f32 v3, v7;
	v3 =	vld [tilespmem:s8+$0xFFFFFFE0]  }
0x56: {  	v7 =	vld [tilespmem:s31+$0xFFFFFFE0]  }
0x57: {  	[tilespmem:s8+$0xFFFFFFB0] =	vst v1;
	v1 =	vadd.f32 v6, v5;
	v5 =	vld [tilespmem:s8+$0xFFFFFFF0]  }
0x58: {  	v6 =	vld [tilespmem:s31+$0xFFFFFFF0]  }
0x59: {  	[tilespmem:s8+$0xFFFFFFC0] =	vst v1;
	v1 =	vadd.f32 v4, v2;
	v2 =	vld [tilespmem:s8+$0x0]  }
0x5a: {  	v4 =	vld [tilespmem:s31+$0x0]  }
0x5b: {  	[tilespmem:s8+$0xFFFFFFD0] =	vst v1;
	v1 =	vadd.f32 v7, v3;
	v3 =	vld [tilespmem:s8+$0x10]  }
0x5c: {  	v7 =	vld [tilespmem:s31+$0x10]  }
0x5d: {  	[tilespmem:s8+$0xFFFFFFE0] =	vst v1;
	v1 =	vadd.f32 v6, v5;
	v5 =	vld [tilespmem:s8+$0x20]  }
0x5e: {  	v6 =	vld [tilespmem:s31+$0x20]  }
0x5f: {  	[tilespmem:s8+$0xFFFFFFF0] =	vst v1;
	v1 =	vadd.f32 v4, v2;
	v2 =	vld [tilespmem:s8+$0x30]  }
0x60: {  	v4 =	vld [tilespmem:s31+$0x30]  }
0x61: {  	[tilespmem:s8+$0x0] =	vst v1;
	v1 =	vadd.f32 v7, v3;
	v7 =	vld [tilespmem:s8+$0x40]  }
0x62: {  	v8 =	vld [tilespmem:s31+$0x40]  }
.Ltmp2:
0x63: {  	[tilespmem:s8+$0x10] =	vst v1;
	v5 =	vadd.f32 v6, v5;
	v1 =	vld [tilespmem:s8+$0x50];
	(pc) =	sbr.rel @p0 .LBB2_3-.Ltmp2, $4  }
0x64: {  	v3 =	vld [tilespmem:s31+$0x50]  }
0x65: {  	[tilespmem:s8+$0x20] =	vst v5;
	v6 =	vadd.f32 v4, v2;
	v2 =	vld [tilespmem:s8+$0x60]  }
0x66: {  	v5 =	vld [tilespmem:s31+$0x60]  }
0x67: {  	s8 =	sadd.s32 $0x100, s8;
	v4 =	vld [tilespmem:s0+$0xFFFFFF80];
	[tilespmem:s0+$0x30] =	vst v6;
	v6 =	vadd.f32 v8, v7  }
0x68: {  	_ =	sdelay $0x1  }
0x69: {  	v1 =	vadd.f32 v3, v1  }
0x6a: {  	[tilespmem:s0+$0x40] =	vst v6;
	v2 =	vadd.f32 v5, v2  }
0x6b: {  	[tilespmem:s0+$0x50] =	vst v1;
	v0 =	vadd.f32 v0, v4  }
0x6c: {  	p0 =	seq.s32 s28, $0x0;
	[tilespmem:s0+$0x60] =	vst v2  }
0x6d: {  	s8 =	sadd.s32 s5, s30;
	[tilespmem:s0+$0xFFFFFF80] =	vst v0;
	s0 =	simm.s32 @!p0 $0x7  }
0x6e: {  	[hbm4b:s8+s3] =	stream.linear.scatter [tilespmem:s3], [sflag:$0x5], $0x4000, $0x38;
	[tilespmem:$0x14000] =	vst v63  }
0x6f: {  	s2 =	sand.u32 $0x1FDFF800, s30;
	_ =	swait.ge @!p0 [sflag:s0], $0x4000  }
0x70: {  	s31 =	sor.u32 $0x200000, s2;
	[sflag:s0] =	ssyncset.done @!p0 $0x0  }
0x71: {  	s9 =	sadd.s32 s1, s31;
	[sflag:s0] =	ssyncadd.s32 @!p0 $0xFFFFC000  }
0x72: {  	[tilespmem:s17], [sflag:$0x3] =	stream.linear.gather [hbm4b:s9+s3], $0x4000, $0x38;
	[tilespmem:$0x14000] =	vst v63  }
0x73: {  	_ =	swait.ge [sflag:s18], $0x4000  }
0x74: {  	[sflag:s18] =	ssyncset.done $0x0  }
0x75: {  	s0 =	simm.s32 $0x4080;
	[sflag:s18] =	ssyncadd.s32 $0xFFFFC000  }
0x76: {  	s2 =	simm.s32 $0x10080;
	v1 =	vld [tilespmem:s0+$0x70]  }
0x77: {  	v2 =	vld [tilespmem:s2+$0x70]  }
0x78: {  	v0 =	vld [tilespmem:s2+$0xFFFFFF80]  }
0x79: {  	v3 =	vld [tilespmem:s0+$0xFFFFFF90]  }
0x7a: {  	v4 =	vld [tilespmem:s2+$0xFFFFFF90]  }
0x7b: {  	v5 =	vld [tilespmem:s0+$0xFFFFFFA0]  }
0x7c: {  	v6 =	vld [tilespmem:s2+$0xFFFFFFA0]  }
0x7d: {  	v7 =	vld [tilespmem:s0+$0xFFFFFFB0]  }
0x7e: {  	v8 =	vld [tilespmem:s2+$0xFFFFFFB0]  }
0x7f: {  	v9 =	vld [tilespmem:s0+$0xFFFFFFC0]  }
0x80: {  	v10 =	vld [tilespmem:s2+$0xFFFFFFC0]  }
0x81: {  	v11 =	vld [tilespmem:s0+$0xFFFFFFD0]  }
0x82: {  	v12 =	vld [tilespmem:s2+$0xFFFFFFD0]  }
0x83: {  	v13 =	vld [tilespmem:s0+$0xFFFFFFE0]  }
0x84: {  	v14 =	vld [tilespmem:s2+$0xFFFFFFE0]  }
0x85: {  	v15 =	vld [tilespmem:s0+$0xFFFFFFF0]  }
0x86: {  	v16 =	vld [tilespmem:s2+$0xFFFFFFF0]  }
0x87: {  	v17 =	vld [tilespmem:s0+$0x0]  }
0x88: {  	v61 =	vld [tilespmem:s2+$0x30];
	v1 =	vadd.f32 v2, v1  }
0x89: {  	v2 =	vld [tilespmem:s2+$0x0];
	v3 =	vadd.f32 v4, v3  }
0x8a: {  	v4 =	vld [tilespmem:s0+$0x10];
	[tilespmem:s0+$0x70] =	vst v1;
	v1 =	vadd.f32 v6, v5  }
0x8b: {  	v5 =	vld [tilespmem:s2+$0x10];
	[tilespmem:s0+$0xFFFFFF90] =	vst v3;
	v3 =	vadd.f32 v8, v7  }
0x8c: {  	v6 =	vld [tilespmem:s0+$0x20];
	[tilespmem:s0+$0xFFFFFFA0] =	vst v1;
	v1 =	vadd.f32 v10, v9  }
0x8d: {  	v7 =	vld [tilespmem:s2+$0x20];
	[tilespmem:s0+$0xFFFFFFB0] =	vst v3;
	v3 =	vadd.f32 v12, v11  }
0x8e: {  	v8 =	vld [tilespmem:s0+$0x30];
	v2 =	vadd.f32 v2, v17;
	[tilespmem:s0+$0xFFFFFFC0] =	vst v1  }
0x8f: {  	v62 =	vld [tilespmem:s0+$0x40];
	v1 =	vadd.f32 v14, v13;
	[tilespmem:s0+$0xFFFFFFD0] =	vst v3  }
0x90: {  	v63 =	vld [tilespmem:s2+$0x40];
	v3 =	vadd.f32 v16, v15;
	[tilespmem:s0+$0x0] =	vst v2  }
0x91: {  	v4 =	vadd.f32 v5, v4;
	[tilespmem:s0+$0xFFFFFFE0] =	vst v1;
	v1 =	vld [tilespmem:s0+$0x50]  }
0x92: {  	v5 =	vadd.f32 v7, v6;
	[tilespmem:s0+$0xFFFFFFF0] =	vst v3;
	v3 =	vld [tilespmem:s2+$0x50]  }
0x93: {  	v6 =	vadd.f32 v61, v8;
	v2 =	vld [tilespmem:s0+$0x60];
	[tilespmem:s0+$0x10] =	vst v4  }
0x94: {  	[tilespmem:s0+$0x20] =	vst v5;
	v5 =	vld [tilespmem:s2+$0x60]  }
0x95: {  	s8 =	simm.s32 $0x0;
	s9 =	simm.s32 $0x4180;
	v4 =	vld [tilespmem:s0+$0xFFFFFF80];
	[tilespmem:s0+$0x30] =	vst v6;
	v6 =	vadd.f32 v63, v62  }
.LBB2_5:
0x96: {  	v7 =	vld [tilespmem:s9+$0x70];
	s2 =	sadd.s32 $0x100, s2  }
0x97: {  	s8 =	sadd.s32 $0x100, s8;
	v8 =	vld [tilespmem:s2+$0x70];
	[tilespmem:s0+$0x40] =	vst v6;
	v1 =	vadd.f32 v3, v1  }
0x98: {  	p1 =	slt.u32 s8, $0x3F00;
	v3 =	vld [tilespmem:s2+$0xFFFFFF80]  }
0x99: {  	v6 =	vld [tilespmem:s9+$0xFFFFFF90];
	[tilespmem:s0+$0x50] =	vst v1;
	v1 =	vadd.f32 v5, v2  }
0x9a: {  	v2 =	vld [tilespmem:s2+$0xFFFFFF90];
	v9 =	vadd.f32 v0, v4  }
0x9b: {  	v4 =	vld [tilespmem:s9+$0xFFFFFFA0];
	[tilespmem:s0+$0x60] =	vst v1  }
0x9c: {  	v1 =	vld [tilespmem:s2+$0xFFFFFFA0];
	v5 =	vadd.f32 v8, v7;
	[tilespmem:s0+$0xFFFFFF80] =	vst v9;
	s0 =	smov.u32 s9  }
0x9d: {  	v7 =	vld [tilespmem:s9+$0xFFFFFFB0];
	v0 =	vmov v3  }
0x9e: {  	v3 =	vld [tilespmem:s2+$0xFFFFFFB0];
	[tilespmem:s9+$0x70] =	vst v5  }
0x9f: {  	v2 =	vadd.f32 v2, v6;
	v5 =	vld [tilespmem:s9+$0xFFFFFFC0]  }
0xa0: {  	v6 =	vld [tilespmem:s2+$0xFFFFFFC0]  }
0xa1: {  	[tilespmem:s9+$0xFFFFFF90] =	vst v2;
	v1 =	vadd.f32 v1, v4;
	v2 =	vld [tilespmem:s9+$0xFFFFFFD0]  }
0xa2: {  	v4 =	vld [tilespmem:s2+$0xFFFFFFD0]  }
0xa3: {  	[tilespmem:s9+$0xFFFFFFA0] =	vst v1;
	v1 =	vadd.f32 v3, v7;
	v3 =	vld [tilespmem:s9+$0xFFFFFFE0]  }
0xa4: {  	v7 =	vld [tilespmem:s2+$0xFFFFFFE0]  }
0xa5: {  	[tilespmem:s9+$0xFFFFFFB0] =	vst v1;
	v1 =	vadd.f32 v6, v5;
	v5 =	vld [tilespmem:s9+$0xFFFFFFF0]  }
0xa6: {  	v6 =	vld [tilespmem:s2+$0xFFFFFFF0]  }
0xa7: {  	[tilespmem:s9+$0xFFFFFFC0] =	vst v1;
	v1 =	vadd.f32 v4, v2;
	v2 =	vld [tilespmem:s9+$0x0]  }
0xa8: {  	v4 =	vld [tilespmem:s2+$0x0]  }
0xa9: {  	[tilespmem:s9+$0xFFFFFFD0] =	vst v1;
	v1 =	vadd.f32 v7, v3;
	v3 =	vld [tilespmem:s9+$0x10]  }
0xaa: {  	v7 =	vld [tilespmem:s2+$0x10]  }
0xab: {  	[tilespmem:s9+$0xFFFFFFE0] =	vst v1;
	v1 =	vadd.f32 v6, v5;
	v5 =	vld [tilespmem:s9+$0x20]  }
0xac: {  	v6 =	vld [tilespmem:s2+$0x20]  }
0xad: {  	[tilespmem:s9+$0xFFFFFFF0] =	vst v1;
	v1 =	vadd.f32 v4, v2;
	v2 =	vld [tilespmem:s9+$0x30]  }
0xae: {  	v4 =	vld [tilespmem:s2+$0x30]  }
0xaf: {  	[tilespmem:s9+$0x0] =	vst v1;
	v1 =	vadd.f32 v7, v3;
	v7 =	vld [tilespmem:s9+$0x40]  }
0xb0: {  	v8 =	vld [tilespmem:s2+$0x40]  }
.Ltmp3:
0xb1: {  	[tilespmem:s9+$0x10] =	vst v1;
	v5 =	vadd.f32 v6, v5;
	v1 =	vld [tilespmem:s9+$0x50];
	(pc) =	sbr.rel @p1 .LBB2_5-.Ltmp3, $4  }
0xb2: {  	v3 =	vld [tilespmem:s2+$0x50]  }
0xb3: {  	[tilespmem:s9+$0x20] =	vst v5;
	v6 =	vadd.f32 v4, v2;
	v2 =	vld [tilespmem:s9+$0x60]  }
0xb4: {  	v5 =	vld [tilespmem:s2+$0x60]  }
0xb5: {  	s9 =	sadd.s32 $0x100, s9;
	v4 =	vld [tilespmem:s0+$0xFFFFFF80];
	[tilespmem:s0+$0x30] =	vst v6;
	v6 =	vadd.f32 v8, v7  }
0xb6: {  	_ =	sdelay $0x1  }
0xb7: {  	v1 =	vadd.f32 v3, v1  }
0xb8: {  	s2 =	sadd.s32 s7, s29;
	[tilespmem:s0+$0x40] =	vst v6;
	v2 =	vadd.f32 v5, v2  }
0xb9: {  	s2 =	sshll.u32 s2, $0x7;
	[tilespmem:s0+$0x50] =	vst v1;
	v0 =	vadd.f32 v0, v4  }
0xba: {  	s2 =	sand.u32 $0x1FFFF800, s2;
	[tilespmem:s0+$0x60] =	vst v2  }
0xbb: {  	s2 =	sadd.s32 s5, s2;
	[tilespmem:s0+$0xFFFFFF80] =	vst v0;
	s0 =	simm.s32 @!p0 $0x8  }
0xbc: {  	[hbm4b:s2+s3] =	stream.linear.scatter [tilespmem:s13], [sflag:$0x6], $0x4000, $0x38;
	[tilespmem:$0x14000] =	vst v63  }
0xbd: {  	s8 =	sand.u32 $0x1FCFF800, s30;
	_ =	swait.ge @!p0 [sflag:s0], $0x4000  }
0xbe: {  	s30 =	sor.u32 $0x300000, s8;
	[sflag:s0] =	ssyncset.done @!p0 $0x0  }
0xbf: {  	s9 =	sadd.s32 s1, s30;
	[sflag:s0] =	ssyncadd.s32 @!p0 $0xFFFFC000  }
0xc0: {  	[tilespmem:s19], [sflag:$0x4] =	stream.linear.gather [hbm4b:s9+s3], $0x4000, $0x38;
	[tilespmem:$0x14000] =	vst v63  }
0xc1: {  	_ =	swait.ge [sflag:s20], $0x4000  }
0xc2: {  	[sflag:s20] =	ssyncset.done $0x0  }
0xc3: {  	s0 =	simm.s32 $0x8080;
	[sflag:s20] =	ssyncadd.s32 $0xFFFFC000  }
0xc4: {  	s2 =	simm.s32 $0x10080;
	v1 =	vld [tilespmem:s0+$0x70]  }
0xc5: {  	v2 =	vld [tilespmem:s2+$0x70]  }
0xc6: {  	v0 =	vld [tilespmem:s2+$0xFFFFFF80]  }
0xc7: {  	v3 =	vld [tilespmem:s0+$0xFFFFFF90]  }
0xc8: {  	v4 =	vld [tilespmem:s2+$0xFFFFFF90]  }
0xc9: {  	v5 =	vld [tilespmem:s0+$0xFFFFFFA0]  }
0xca: {  	v6 =	vld [tilespmem:s2+$0xFFFFFFA0]  }
0xcb: {  	v7 =	vld [tilespmem:s0+$0xFFFFFFB0]  }
0xcc: {  	v8 =	vld [tilespmem:s2+$0xFFFFFFB0]  }
0xcd: {  	v9 =	vld [tilespmem:s0+$0xFFFFFFC0]  }
0xce: {  	v10 =	vld [tilespmem:s2+$0xFFFFFFC0]  }
0xcf: {  	v11 =	vld [tilespmem:s0+$0xFFFFFFD0]  }
0xd0: {  	v12 =	vld [tilespmem:s2+$0xFFFFFFD0]  }
0xd1: {  	v13 =	vld [tilespmem:s0+$0xFFFFFFE0]  }
0xd2: {  	v14 =	vld [tilespmem:s2+$0xFFFFFFE0]  }
0xd3: {  	v15 =	vld [tilespmem:s0+$0xFFFFFFF0]  }
0xd4: {  	v16 =	vld [tilespmem:s2+$0xFFFFFFF0]  }
0xd5: {  	v17 =	vld [tilespmem:s0+$0x0]  }
0xd6: {  	v61 =	vld [tilespmem:s2+$0x30];
	v1 =	vadd.f32 v2, v1  }
0xd7: {  	v2 =	vld [tilespmem:s2+$0x0];
	v3 =	vadd.f32 v4, v3  }
0xd8: {  	v4 =	vld [tilespmem:s0+$0x10];
	[tilespmem:s0+$0x70] =	vst v1;
	v1 =	vadd.f32 v6, v5  }
0xd9: {  	v5 =	vld [tilespmem:s2+$0x10];
	[tilespmem:s0+$0xFFFFFF90] =	vst v3;
	v3 =	vadd.f32 v8, v7  }
0xda: {  	v6 =	vld [tilespmem:s0+$0x20];
	[tilespmem:s0+$0xFFFFFFA0] =	vst v1;
	v1 =	vadd.f32 v10, v9  }
0xdb: {  	v7 =	vld [tilespmem:s2+$0x20];
	[tilespmem:s0+$0xFFFFFFB0] =	vst v3;
	v3 =	vadd.f32 v12, v11  }
0xdc: {  	v8 =	vld [tilespmem:s0+$0x30];
	v2 =	vadd.f32 v2, v17;
	[tilespmem:s0+$0xFFFFFFC0] =	vst v1  }
0xdd: {  	v62 =	vld [tilespmem:s0+$0x40];
	v1 =	vadd.f32 v14, v13;
	[tilespmem:s0+$0xFFFFFFD0] =	vst v3  }
0xde: {  	v63 =	vld [tilespmem:s2+$0x40];
	v3 =	vadd.f32 v16, v15;
	[tilespmem:s0+$0x0] =	vst v2  }
0xdf: {  	v4 =	vadd.f32 v5, v4;
	[tilespmem:s0+$0xFFFFFFE0] =	vst v1;
	v1 =	vld [tilespmem:s0+$0x50]  }
0xe0: {  	v5 =	vadd.f32 v7, v6;
	[tilespmem:s0+$0xFFFFFFF0] =	vst v3;
	v3 =	vld [tilespmem:s2+$0x50]  }
0xe1: {  	v6 =	vadd.f32 v61, v8;
	v2 =	vld [tilespmem:s0+$0x60];
	[tilespmem:s0+$0x10] =	vst v4  }
0xe2: {  	[tilespmem:s0+$0x20] =	vst v5;
	v5 =	vld [tilespmem:s2+$0x60]  }
0xe3: {  	s8 =	simm.s32 $0x0;
	s9 =	simm.s32 $0x8180;
	v4 =	vld [tilespmem:s0+$0xFFFFFF80];
	[tilespmem:s0+$0x30] =	vst v6;
	v6 =	vadd.f32 v63, v62  }
.LBB2_7:
0xe4: {  	v7 =	vld [tilespmem:s9+$0x70];
	s2 =	sadd.s32 $0x100, s2  }
0xe5: {  	s8 =	sadd.s32 $0x100, s8;
	v8 =	vld [tilespmem:s2+$0x70];
	[tilespmem:s0+$0x40] =	vst v6;
	v1 =	vadd.f32 v3, v1  }
0xe6: {  	p0 =	slt.u32 s8, $0x3F00;
	v3 =	vld [tilespmem:s2+$0xFFFFFF80]  }
0xe7: {  	v6 =	vld [tilespmem:s9+$0xFFFFFF90];
	[tilespmem:s0+$0x50] =	vst v1;
	v1 =	vadd.f32 v5, v2  }
0xe8: {  	v2 =	vld [tilespmem:s2+$0xFFFFFF90];
	v9 =	vadd.f32 v0, v4  }
0xe9: {  	v4 =	vld [tilespmem:s9+$0xFFFFFFA0];
	[tilespmem:s0+$0x60] =	vst v1  }
0xea: {  	v1 =	vld [tilespmem:s2+$0xFFFFFFA0];
	v5 =	vadd.f32 v8, v7;
	[tilespmem:s0+$0xFFFFFF80] =	vst v9;
	s0 =	smov.u32 s9  }
0xeb: {  	v7 =	vld [tilespmem:s9+$0xFFFFFFB0];
	v0 =	vmov v3  }
0xec: {  	v3 =	vld [tilespmem:s2+$0xFFFFFFB0];
	[tilespmem:s9+$0x70] =	vst v5  }
0xed: {  	v2 =	vadd.f32 v2, v6;
	v5 =	vld [tilespmem:s9+$0xFFFFFFC0]  }
0xee: {  	v6 =	vld [tilespmem:s2+$0xFFFFFFC0]  }
0xef: {  	[tilespmem:s9+$0xFFFFFF90] =	vst v2;
	v1 =	vadd.f32 v1, v4;
	v2 =	vld [tilespmem:s9+$0xFFFFFFD0]  }
0xf0: {  	v4 =	vld [tilespmem:s2+$0xFFFFFFD0]  }
0xf1: {  	[tilespmem:s9+$0xFFFFFFA0] =	vst v1;
	v1 =	vadd.f32 v3, v7;
	v3 =	vld [tilespmem:s9+$0xFFFFFFE0]  }
0xf2: {  	v7 =	vld [tilespmem:s2+$0xFFFFFFE0]  }
0xf3: {  	[tilespmem:s9+$0xFFFFFFB0] =	vst v1;
	v1 =	vadd.f32 v6, v5;
	v5 =	vld [tilespmem:s9+$0xFFFFFFF0]  }
0xf4: {  	v6 =	vld [tilespmem:s2+$0xFFFFFFF0]  }
0xf5: {  	[tilespmem:s9+$0xFFFFFFC0] =	vst v1;
	v1 =	vadd.f32 v4, v2;
	v2 =	vld [tilespmem:s9+$0x0]  }
0xf6: {  	v4 =	vld [tilespmem:s2+$0x0]  }
0xf7: {  	[tilespmem:s9+$0xFFFFFFD0] =	vst v1;
	v1 =	vadd.f32 v7, v3;
	v3 =	vld [tilespmem:s9+$0x10]  }
0xf8: {  	v7 =	vld [tilespmem:s2+$0x10]  }
0xf9: {  	[tilespmem:s9+$0xFFFFFFE0] =	vst v1;
	v1 =	vadd.f32 v6, v5;
	v5 =	vld [tilespmem:s9+$0x20]  }
0xfa: {  	v6 =	vld [tilespmem:s2+$0x20]  }
0xfb: {  	[tilespmem:s9+$0xFFFFFFF0] =	vst v1;
	v1 =	vadd.f32 v4, v2;
	v2 =	vld [tilespmem:s9+$0x30]  }
0xfc: {  	v4 =	vld [tilespmem:s2+$0x30]  }
0xfd: {  	[tilespmem:s9+$0x0] =	vst v1;
	v1 =	vadd.f32 v7, v3;
	v7 =	vld [tilespmem:s9+$0x40]  }
0xfe: {  	v8 =	vld [tilespmem:s2+$0x40]  }
.Ltmp4:
0xff: {  	[tilespmem:s9+$0x10] =	vst v1;
	v5 =	vadd.f32 v6, v5;
	v1 =	vld [tilespmem:s9+$0x50];
	(pc) =	sbr.rel @p0 .LBB2_7-.Ltmp4, $4  }
0x100: {  	v3 =	vld [tilespmem:s2+$0x50]  }
0x101: {  	[tilespmem:s9+$0x20] =	vst v5;
	v6 =	vadd.f32 v4, v2;
	v2 =	vld [tilespmem:s9+$0x60]  }
0x102: {  	v5 =	vld [tilespmem:s2+$0x60]  }
0x103: {  	s9 =	sadd.s32 $0x100, s9;
	v4 =	vld [tilespmem:s0+$0xFFFFFF80];
	[tilespmem:s0+$0x30] =	vst v6;
	v6 =	vadd.f32 v8, v7  }
0x104: {  	_ =	sdelay $0x1  }
0x105: {  	v1 =	vadd.f32 v3, v1  }
0x106: {  	[tilespmem:s0+$0x40] =	vst v6;
	v2 =	vadd.f32 v5, v2  }
0x107: {  	[tilespmem:s0+$0x50] =	vst v1;
	v0 =	vadd.f32 v0, v4  }
0x108: {  	p0 =	seq.s32 s28, $0xF;
	[tilespmem:s0+$0x60] =	vst v2  }
0x109: {  	s31 =	sadd.s32 s5, s31;
	s2 =	sadd.s32 @!p0 s29, s10;
	[tilespmem:s0+$0xFFFFFF80] =	vst v0;
	s0 =	simm.s32 @!p0 $0x5  }
0x10a: {  	[hbm4b:s31+s3] =	stream.linear.scatter [tilespmem:s17], [sflag:$0x7], $0x4000, $0x38;
	[tilespmem:$0x14000] =	vst v63  }
0x10b: {  	s2 =	sshll.u32 @!p0 s2, $0x7;
	_ =	swait.ge @!p0 [sflag:s0], $0x4000  }
0x10c: {  	s2 =	sand.u32 @!p0 $0x1FFFF800, s2;
	[sflag:s0] =	ssyncset.done @!p0 $0x0  }
0x10d: {  	[sflag:s0] =	ssyncadd.s32 @!p0 $0xFFFFC000;
	s0 =	sadd.s32 @!p0 s1, s2;
	s2 =	simm.s32 @!p0 $0x0  }
0x10e: {  	[tilespmem:s2], [sflag:$0x1] =	stream.linear.gather @!p0 [hbm4b:s0+s2], $0x4000, $0x38;
	[tilespmem:$0x14000] =	vst v63  }
0x10f: {  	_ =	swait.ge [sflag:s21], $0x4000  }
0x110: {  	[sflag:s21] =	ssyncset.done $0x0  }
0x111: {  	s0 =	simm.s32 $0xC080;
	[sflag:s21] =	ssyncadd.s32 $0xFFFFC000  }
0x112: {  	s2 =	simm.s32 $0x10080;
	v1 =	vld [tilespmem:s0+$0x70]  }
0x113: {  	v2 =	vld [tilespmem:s2+$0x70]  }
0x114: {  	v0 =	vld [tilespmem:s2+$0xFFFFFF80]  }
0x115: {  	v3 =	vld [tilespmem:s0+$0xFFFFFF90]  }
0x116: {  	v4 =	vld [tilespmem:s2+$0xFFFFFF90]  }
0x117: {  	v5 =	vld [tilespmem:s0+$0xFFFFFFA0]  }
0x118: {  	v6 =	vld [tilespmem:s2+$0xFFFFFFA0]  }
0x119: {  	v7 =	vld [tilespmem:s0+$0xFFFFFFB0]  }
0x11a: {  	v8 =	vld [tilespmem:s2+$0xFFFFFFB0]  }
0x11b: {  	v9 =	vld [tilespmem:s0+$0xFFFFFFC0]  }
0x11c: {  	v10 =	vld [tilespmem:s2+$0xFFFFFFC0]  }
0x11d: {  	v11 =	vld [tilespmem:s0+$0xFFFFFFD0]  }
0x11e: {  	v12 =	vld [tilespmem:s2+$0xFFFFFFD0]  }
0x11f: {  	v13 =	vld [tilespmem:s0+$0xFFFFFFE0]  }
0x120: {  	v14 =	vld [tilespmem:s2+$0xFFFFFFE0]  }
0x121: {  	v15 =	vld [tilespmem:s0+$0xFFFFFFF0]  }
0x122: {  	v16 =	vld [tilespmem:s2+$0xFFFFFFF0]  }
0x123: {  	v17 =	vld [tilespmem:s0+$0x0]  }
0x124: {  	v61 =	vld [tilespmem:s2+$0x30];
	v1 =	vadd.f32 v2, v1  }
0x125: {  	v2 =	vld [tilespmem:s2+$0x0];
	v3 =	vadd.f32 v4, v3  }
0x126: {  	v4 =	vld [tilespmem:s0+$0x10];
	[tilespmem:s0+$0x70] =	vst v1;
	v1 =	vadd.f32 v6, v5  }
0x127: {  	v5 =	vld [tilespmem:s2+$0x10];
	[tilespmem:s0+$0xFFFFFF90] =	vst v3;
	v3 =	vadd.f32 v8, v7  }
0x128: {  	v6 =	vld [tilespmem:s0+$0x20];
	[tilespmem:s0+$0xFFFFFFA0] =	vst v1;
	v1 =	vadd.f32 v10, v9  }
0x129: {  	v7 =	vld [tilespmem:s2+$0x20];
	[tilespmem:s0+$0xFFFFFFB0] =	vst v3;
	v3 =	vadd.f32 v12, v11  }
0x12a: {  	v8 =	vld [tilespmem:s0+$0x30];
	v2 =	vadd.f32 v2, v17;
	[tilespmem:s0+$0xFFFFFFC0] =	vst v1  }
0x12b: {  	v62 =	vld [tilespmem:s0+$0x40];
	v1 =	vadd.f32 v14, v13;
	[tilespmem:s0+$0xFFFFFFD0] =	vst v3  }
0x12c: {  	v63 =	vld [tilespmem:s2+$0x40];
	v3 =	vadd.f32 v16, v15;
	[tilespmem:s0+$0x0] =	vst v2  }
0x12d: {  	v4 =	vadd.f32 v5, v4;
	[tilespmem:s0+$0xFFFFFFE0] =	vst v1;
	v1 =	vld [tilespmem:s0+$0x50]  }
0x12e: {  	v5 =	vadd.f32 v7, v6;
	[tilespmem:s0+$0xFFFFFFF0] =	vst v3;
	v3 =	vld [tilespmem:s2+$0x50]  }
0x12f: {  	v6 =	vadd.f32 v61, v8;
	v2 =	vld [tilespmem:s0+$0x60];
	[tilespmem:s0+$0x10] =	vst v4  }
0x130: {  	[tilespmem:s0+$0x20] =	vst v5;
	v5 =	vld [tilespmem:s2+$0x60]  }
0x131: {  	s8 =	simm.s32 $0x0;
	s9 =	simm.s32 $0xC180;
	v4 =	vld [tilespmem:s0+$0xFFFFFF80];
	[tilespmem:s0+$0x30] =	vst v6;
	v6 =	vadd.f32 v63, v62  }
.LBB2_9:
0x132: {  	v7 =	vld [tilespmem:s9+$0x70];
	s2 =	sadd.s32 $0x100, s2  }
0x133: {  	s8 =	sadd.s32 $0x100, s8;
	v8 =	vld [tilespmem:s2+$0x70];
	[tilespmem:s0+$0x40] =	vst v6;
	v1 =	vadd.f32 v3, v1  }
0x134: {  	p1 =	slt.u32 s8, $0x3F00;
	v3 =	vld [tilespmem:s2+$0xFFFFFF80]  }
0x135: {  	v6 =	vld [tilespmem:s9+$0xFFFFFF90];
	[tilespmem:s0+$0x50] =	vst v1;
	v1 =	vadd.f32 v5, v2  }
0x136: {  	v2 =	vld [tilespmem:s2+$0xFFFFFF90];
	v9 =	vadd.f32 v0, v4  }
0x137: {  	v4 =	vld [tilespmem:s9+$0xFFFFFFA0];
	[tilespmem:s0+$0x60] =	vst v1  }
0x138: {  	v1 =	vld [tilespmem:s2+$0xFFFFFFA0];
	v5 =	vadd.f32 v8, v7;
	[tilespmem:s0+$0xFFFFFF80] =	vst v9;
	s0 =	smov.u32 s9  }
0x139: {  	v7 =	vld [tilespmem:s9+$0xFFFFFFB0];
	v0 =	vmov v3  }
0x13a: {  	v3 =	vld [tilespmem:s2+$0xFFFFFFB0];
	[tilespmem:s9+$0x70] =	vst v5  }
0x13b: {  	v2 =	vadd.f32 v2, v6;
	v5 =	vld [tilespmem:s9+$0xFFFFFFC0]  }
0x13c: {  	v6 =	vld [tilespmem:s2+$0xFFFFFFC0]  }
0x13d: {  	[tilespmem:s9+$0xFFFFFF90] =	vst v2;
	v1 =	vadd.f32 v1, v4;
	v2 =	vld [tilespmem:s9+$0xFFFFFFD0]  }
0x13e: {  	v4 =	vld [tilespmem:s2+$0xFFFFFFD0]  }
0x13f: {  	[tilespmem:s9+$0xFFFFFFA0] =	vst v1;
	v1 =	vadd.f32 v3, v7;
	v3 =	vld [tilespmem:s9+$0xFFFFFFE0]  }
0x140: {  	v7 =	vld [tilespmem:s2+$0xFFFFFFE0]  }
0x141: {  	[tilespmem:s9+$0xFFFFFFB0] =	vst v1;
	v1 =	vadd.f32 v6, v5;
	v5 =	vld [tilespmem:s9+$0xFFFFFFF0]  }
0x142: {  	v6 =	vld [tilespmem:s2+$0xFFFFFFF0]  }
0x143: {  	[tilespmem:s9+$0xFFFFFFC0] =	vst v1;
	v1 =	vadd.f32 v4, v2;
	v2 =	vld [tilespmem:s9+$0x0]  }
0x144: {  	v4 =	vld [tilespmem:s2+$0x0]  }
0x145: {  	[tilespmem:s9+$0xFFFFFFD0] =	vst v1;
	v1 =	vadd.f32 v7, v3;
	v3 =	vld [tilespmem:s9+$0x10]  }
0x146: {  	v7 =	vld [tilespmem:s2+$0x10]  }
0x147: {  	[tilespmem:s9+$0xFFFFFFE0] =	vst v1;
	v1 =	vadd.f32 v6, v5;
	v5 =	vld [tilespmem:s9+$0x20]  }
0x148: {  	v6 =	vld [tilespmem:s2+$0x20]  }
0x149: {  	[tilespmem:s9+$0xFFFFFFF0] =	vst v1;
	v1 =	vadd.f32 v4, v2;
	v2 =	vld [tilespmem:s9+$0x30]  }
0x14a: {  	v4 =	vld [tilespmem:s2+$0x30]  }
0x14b: {  	[tilespmem:s9+$0x0] =	vst v1;
	v1 =	vadd.f32 v7, v3;
	v7 =	vld [tilespmem:s9+$0x40]  }
0x14c: {  	v8 =	vld [tilespmem:s2+$0x40]  }
.Ltmp5:
0x14d: {  	[tilespmem:s9+$0x10] =	vst v1;
	v5 =	vadd.f32 v6, v5;
	v1 =	vld [tilespmem:s9+$0x50];
	(pc) =	sbr.rel @p1 .LBB2_9-.Ltmp5, $4  }
0x14e: {  	v3 =	vld [tilespmem:s2+$0x50]  }
0x14f: {  	[tilespmem:s9+$0x20] =	vst v5;
	v6 =	vadd.f32 v4, v2;
	v2 =	vld [tilespmem:s9+$0x60]  }
0x150: {  	v5 =	vld [tilespmem:s2+$0x60]  }
0x151: {  	s9 =	sadd.s32 $0x100, s9;
	v4 =	vld [tilespmem:s0+$0xFFFFFF80];
	[tilespmem:s0+$0x30] =	vst v6;
	v6 =	vadd.f32 v8, v7  }
0x152: {  	_ =	sdelay $0x1  }
0x153: {  	v1 =	vadd.f32 v3, v1  }
.Ltmp6:
0x154: {  	[tilespmem:s0+$0x40] =	vst v6;
	v2 =	vadd.f32 v5, v2;
	(pc) =	sbr.rel @p0 .LBB2_12-.Ltmp6, $4  }
0x155: {  	[tilespmem:s0+$0x50] =	vst v1;
	v0 =	vadd.f32 v0, v4  }
0x156: {  	[tilespmem:s0+$0x60] =	vst v2  }
0x157: {  	s31 =	sadd.s32 s5, s30;
	[tilespmem:s0+$0xFFFFFF80] =	vst v0  }
0x158: {  	[hbm4b:s31+s3] =	stream.linear.scatter [tilespmem:s19], [sflag:$0x8], $0x4000, $0x38;
	[tilespmem:$0x14000] =	vst v63  }
.Ltmp7:
0x159: {  	s0 =	sadd.s32 s29, s11;
	(pc) =	sbr.rel .LBB2_2-.Ltmp7, $4  }
0x15a: {  	_ =	swait.ge [sflag:s23], $0x4000;
	s0 =	sshll.u32 s0, $0x7  }
0x15b: {  	[sflag:s23] =	ssyncset.done $0x0;
	s0 =	sand.u32 $0x1FFFF800, s0  }
0x15c: {  	s28 =	sadd.s32 $0x1, s28;
	[sflag:s23] =	ssyncadd.s32 $0xFFFFC000;
	s0 =	sadd.s32 s1, s0  }
0x15d: {  	[tilespmem:s13], [sflag:$0x2] =	stream.linear.gather [hbm4b:s0+s3], $0x4000, $0x38;
	[tilespmem:$0x14000] =	vst v63  }
.LBB2_13:
0x15e: {  	_ =	sfence.sel $0x180000  }
0x15f: {  	[bflag:$0x0] =	sbarrier.arrive $0xFFFF  }
0x160: {  	_ =	strace $0x9000004D  }
0x161: {  	s0 =	stileid.u32;
	[bflag:$0x2] =	sbarrier.arrive $0xFFFF  }
0x162: {  	p0 =	sne.s32 s0, $0x0;
	s0 =	rddreg [dreg:$0x2]  }
0x163: {  	s0 =	sadd.s32 @!p0 $0x100000, s0  }
0x164: {  	[sflag:s0] =	ssyncadd.tile.s32 @!p0 $0x1;
	_ =	shalt  }
.Lfunc_end2:
_tile_overlayer_lowered:
.L_overlay_start_2:
0x165: {  	(tag) =	ssettag $0x2  }
0x166: {  	s0 =	rddreg [dreg:$0x0];
	s2 =	stileid.u32  }
0x167: {  	s1 =	rddreg [dreg:$0x1];
	p0 =	sne.s32 s2, $0x0  }
0x168: {  	s3 =	rddreg [dreg:$0x2];
	[bflag:$0x3] =	sbarrier.arrive $0xFFFF;
	s2 =	simm.s32 @!p0 $0x1C09  }
0x169: {  	[timem:s3], [sflag:s2] =	dma.local @!p0 [hbm:s0], s1  }
0x16a: {  	s0 =	simm.s32 @!p0 $0x9  }
0x16b: {  	_ =	swait.ge @!p0 [sflag:s0], s1  }
0x16c: {  	s1 =	ssub.s32 @!p0 $0x0, s1;
	[sflag:s0] =	ssyncset.done @!p0 $0x0  }
0x16d: {  	[sflag:s0] =	ssyncadd.s32 @!p0 s1  }
0x16e: {  	[bflag:$0x3] =	sbarrier.arrive $0xFFFF  }
0x16f: {  	_ =	shalt  }

// kernel: sparse-core-data-format-call.1.cloned.1.call-start
scs
called_computation.1_lowered:
.L_overlay_start_0:
0x0: {  	s2 =	sld [smem:$0x3FD9]  }
0x1: {  	s3 =	sld [smem:$0x3FFE];
	_ =	sdelay $0x1  }
0x2: {  	s1 =	srdreg.scid  }
0x3: {  	s0 =	sand.u32 $0x1, s1  }
0x4: {  	s19 =	sshll.u32 s0, $0xA;
	s2 =	sadd.s32 s3, s2  }
0x5: {  	s2 =	sadd.s32 s2, s19  }
0x6: {  	[smem:$0x3FC6] =	sst s2  }
0x7: {  	_ = 	snop  }
0x8: {  	s20 =	sld [smem:$0x3FC9]  }
0x9: {  	s4 =	sld [smem:$0x3FD0];
	(tm) =	ssettm $0x1  }
0xa: {  	s21 =	sld [smem:$0x3FFB];
	_ =	sdelay $0x3  }
0xb: {  	_ =	strace s21  }
0xc: {  	s2 =	sld [smem:$0x3FFC];
	_ =	sdelay $0x3  }
0xd: {  	_ =	strace s2  }
0xe: {  	s2 =	sld [smem:$0x3FFD];
	_ =	sdelay $0x3  }
0xf: {  	_ =	strace s2  }
0x10: {  	_ =	strace $0x8FFFFFFF  }
0x11: {  	s22 =	sld [smem:$0x3FDB];
	_ =	sdelay $0x1  }
0x12: {  	s5 =	simm.s32 $_scs_section_size  }
0x13: {  	s6 =	simm.s32 $_size__tile_overlayer_lowered;
	s7 =	simm.s32 $_tile_overlayer_lowered  }
0x14: {  	s8 =	simm.s32 $0x1BFF;
	s23 =	sshll.u32 s7, $0x1;
	s5 =	sadd.s32 s5, s22  }
0x15: {  	s24 =	simm.s32 $0x0;
	s6 =	sshll.u32 s6, $0x1;
	s7 =	sadd.s32 s23, s5  }
0x16: {  	[timem:s24], [sflag:s8] =	dma.local [hbm:s7], s6  }
0x17: {  	_ =	swait.ge [sflag:s8], s6  }
0x18: {  	s6 =	ssub.s32 $0x0, s6;
	[sflag:s8] =	ssyncset.done $0x0  }
0x19: {  	[sflag:s8] =	ssyncadd.s32 s6;
	_ =	sdelay $0x1  }
0x1a: {  	s25 =	simm.s32 $0x1B8B  }
0x1b: {  	_ =	swait.ge [sflag:s25], $0x1  }
0x1c: {  	[sflag:s25] =	ssyncset.done $0x0  }
0x1d: {  	[sflag:s25] =	ssyncadd.s32 $0xFFFFFFFF  }
0x1e: {  	s6 =	sld [smem:$0x0]  }
0x1f: {  	s7 =	sand.u32 $0xFFFFFFFE, s1  }
0x20: {  	p0 =	sne.s32 s1, s7  }
0x21: {  	s7 =	sshll.u32 @p0 s7, $0xE  }
0x22: {  	s7 =	sadd.s32 @p0 $0x11B8D, s7;
	s8 =	sshll.u32 @p0 s6, $0x11  }
0x23: {  	s7 =	sor.u32 @p0 s8, s7  }
0x24: {  	[sflag:s7] =	ssyncadd.remote.s32 @p0 $0x1;
	_ =	sdelay $0x1  }
0x25: {  	s7 =	simm.s32 @p0 $0x1B8D  }
0x26: {  	_ =	swait.eq @p0 [sflag:s7], $0x1  }
0x27: {  	[sflag:s7] =	ssyncadd.s32 @p0 $0xFFFFFFFF  }
0x28: {  	s8 =	sshll.u32 @!p0 s1, $0xE  }
0x29: {  	s8 =	sor.u32 @!p0 $0x4000, s8;
	s7 =	simm.s32 @!p0 $0x1B8D  }
0x2a: {  	s6 =	sshll.u32 @!p0 s6, $0x11;
	s8 =	sadd.s32 @!p0 $0x11B8D, s8;
	_ =	swait.eq @!p0 [sflag:s7], $0x1  }
0x2b: {  	s6 =	sor.u32 @!p0 s6, s8;
	[sflag:s7] =	ssyncadd.s32 @!p0 $0xFFFFFFFF  }
0x2c: {  	s26 =	simm.s32 $0x1B8E;
	[sflag:s6] =	ssyncadd.remote.s32 @!p0 $0x1  }
0x2d: {  	s27 =	simm.s32 $execute0_lowered;
	[smem:$0x3FD2] =	sst s26  }
0x2e: {  	s6 =	sshll.u32 s27, $0x1;
	_ =	strace $0x80000049;
	[dreg:$0x1] =	wrdreg $0xFFFFFFFF  }
0x2f: {  	s28 =	simm.s32 $_size_execute0_lowered;
	s5 =	sadd.s32 s5, s6;
	[dreg:$0x0] =	wrdreg $0x0  }
0x30: {  	s6 =	sshll.u32 s28, $0x1;
	[dreg:$0x2] =	wrdreg s5  }
0x31: {  	[dreg:$0x3] =	wrdreg s6  }
0x32: {  	[dreg:$0x4] =	wrdreg $0xC0  }
0x33: {  	_ =	task [dreg:s24], $0x5FFFF  }
0x34: {  	[dreg:$0x1] =	wrdreg $0xFFFFFFFF  }
0x35: {  	[dreg:$0x0] =	wrdreg $0x60  }
0x36: {  	[dreg:$0x2] =	wrdreg s20  }
0x37: {  	[dreg:$0x3] =	wrdreg s4  }
0x38: {  	[dreg:$0x4] =	wrdreg $0xA  }
0x39: {  	_ =	task.clear_ibuf [dreg:s24], $0x5FFFF;
	_ =	strace $0x90000049  }
0x3a: {  	s29 =	simm.s32 $0xA;
	_ =	strace $0x8000004B  }
0x3b: {  	_ =	swait.ge [sflag:s29], $0x1  }
0x3c: {  	[sflag:s29] =	ssyncadd.s32 $0xFFFFFFFF  }
0x3d: {  	_ =	strace $0x9000004B  }
0x3e: {  	_ =	sfence  }
0x3f: {  	s30 =	sld [smem:$0x0];
	_ =	sdelay $0x2  }
0x40: {  	s31 =	sshll.u32 s1, $0xD;
	s1 =	sshrl.u32 s1, $0x2  }
0x41: {  	s4 =	sand.u32 $0x4000, s31;
	s1 =	sadd.s32 s1, s30  }
0x42: {  	s0 =	sor.u32 s4, s0;
	s1 =	sshll.u32 s1, $0x11  }
0x43: {  	s0 =	sor.u32 s1, s0  }
0x44: {  	s0 =	sadd.s32 $0x8F2B, s0  }
0x45: {  	[sflag:s0] =	ssyncadd.remote.s32 $0x1  }
0x46: {  	_ =	sfence.sel $0xFFFF  }
0x47: {  	[dreg:$0x0] =	wrdreg $0xFFFFFFFF;
	(pc) =	sbr.abs _section_cstart, $3  }
0x48: {  	[dreg:$0x1] =	wrdreg $0xFFFFFFFF  }
0x49: {  	_ =	task.clear_ibuf [dreg:s24], $0x2FFFF;
	_ =	strace $0x9FFFFFFF  }
0x4a: {  	(tm) =	ssettm $0x7FFFFFFF  }
0x4b: {  	_ =	shalt  }
tec
execute0_lowered:
.L_overlay_start_1:
0x0: {  	(tag) =	ssettag $0x1  }
0x1: {  	s0 =	srdreg.scid  }
0x2: {  	s1 =	sshll.u32 s0, $0x4  }
0x3: {  	s2 =	rddreg [dreg:$0x0];
	s0 =	stileid.u32;
	s1 =	sand.u32 $0x10, s1  }
0x4: {  	s4 =	rddreg [dreg:$0x1];
	s1 =	sor.u32 s0, s1  }
0x5: {  	s7 =	simm.s32 $0x1;
	s8 =	simm.s32 $0x2;
	s3 =	sshll.u32 s1, $0x1  }
0x6: {  	s9 =	simm.s32 $0x0;
	s12 =	simm.s32 $0x0;
	s6 =	ssub.s32 $0x1000, s3  }
.Ltmp0:
0x7: {  	s11 =	simm.s32 $0x0;
	s5 =	sand.u32 $0x3E, s6;
	(pc) =	sbr.rel .LBB1_1-.Ltmp0, $4  }
0x8: {  	s1 =	rddreg [dreg:$0x2];
	_ =	strace $0x8000004A;
	p0 =	sne.s32 s5, $0x0  }
0x9: {  	s6 =	sshrl.u32 s6, $0x6;
	s5 =	simm.s32 $0x1;
	s7 =	simm.s32 @!p0 $0x0  }
0xa: {  	s10 =	smov.u32 s3;
	[sflag:s5] =	ssyncpa.u1 $0x0;
	s6 =	sadd.s32 s7, s6  }
0xb: {  	[sflag:s8] =	ssyncpa.u1 $0x0;
	s8 =	simm.s32 $0x0;
	s7 =	sadd.s32 $0x1, s6  }
.LBB1_9:
0xc: {  	s14 =	sadd.s32 $0x40, s10  }
0xd: {  	p1 =	sgt.s32 s14, $0xFFF  }
0xe: {  	s14 =	smov.u32 @p1 s3;
	p1 =	sne.s32 s11, s7  }
.Ltmp1:
0xf: {  	p0 =	slt.u32 s11, $0x2;
	(pc) =	sbr.rel @!p1 .LBB1_10-.Ltmp1, $4  }
0x10: {  	s13 =	simm.s32 @!p0 $0x2  }
0x11: {  	s15 =	sadd.s32 $0x1, s11;
	_ =	swait.ge @!p0 [sflag:s13], $0x4000  }
0x12: {  	s12 =	smov.u32 s10;
	s9 =	sadd.s32 $0x4000, s9;
	[sflag:s13] =	ssyncset.done @!p0 $0x0  }
0x13: {  	s11 =	smov.u32 s15;
	s10 =	smov.u32 s14;
	[sflag:s13] =	ssyncadd.s32 @!p0 $0xFFFFC000  }
.LBB1_1:
0x14: {  	p0 =	sge.u32 s11, s6  }
0x15: {  	s13 =	sxor.u32 @!p0 $0xFFFFFFFF, s11  }
0x16: {  	s31 =	sadd.s32 $0xFFFFFFFF, s11;
	s14 =	sshll.u32 @!p0 s10, $0xA;
	s13 =	sshll.u32 @!p0 s13, $0xE  }
0x17: {  	s15 =	simm.s32 @!p0 $0x0;
	s14 =	sadd.s32 @!p0 s2, s14;
	s13 =	sand.u32 @!p0 $0x4000, s13  }
0x18: {  	[tilespmem:s13], [sflag:$0x1] =	stream.linear.gather @!p0 [hbm4b:s14+s15], $0x4000, $0x38;
	[tilespmem:$0x10000] =	vst v63  }
0x19: {  	p0 =	sge.u32 s31, s6  }
.Ltmp2:
0x1a: {  	_ = 	snop;
	(pc) =	sbr.rel @p0 .LBB1_9-.Ltmp2, $1  }
0x1b: {  	_ =	sdelay $0x3  }
0x1c: {  	s13 =	sshll.u32 s9, $0x2  }
0x1d: {  	_ =	swait.ge [sflag:s5], $0x4000;
	s14 =	sshll.u32 s11, $0xE;
	s16 =	simm.s32 $0x0  }
0x1e: {  	p1 =	por $0x1, $0x1;
	s13 =	sand.u32 $0x10000, s13;
	[sflag:s5] =	ssyncset.done $0x0  }
0x1f: {  	s14 =	sand.u32 $0x4000, s14;
	s15 =	sshrl.u32 s13, $0x2;
	[sflag:s5] =	ssyncadd.s32 $0xFFFFC000  }
0x20: {  	s13 =	sor.u32 $0x8000, s14;
	s14 =	sadd.s32 $0x8040, s15;
	s15 =	sadd.s32 $0x40, s15  }
.LBB1_3:
0x21: {  	s16 =	sshll.u32 s16, $0x2  }
0x22: {  	p0 =	por p1, p1;
	s17 =	sshra.s32 s16, $0x2  }
0x23: {  	s18 =	simm.s32 $0x0;
	s16 =	sadd.s32 s17, s14;
	s17 =	sadd.s32 s17, s15  }
.LBB1_4:
0x24: {  	v0 =	vmov s17;
	_ =	sdelay $0x3  }
0x25: {  	s20 =	simm.s32 $0x0  }
0x26: {  	v6 =	vld.idx.msk [tilespmem:v0+s20+$0x30 ss:$0x1], $0xffff  }
0x27: {  	v7 =	vld.idx.msk [tilespmem:v0+s20+$0xFFFFFFC0 ss:$0x1], $0xffff  }
0x28: {  	v5 =	vld.idx.msk [tilespmem:v0+s20+$0xFFFFFFD0 ss:$0x1], $0xffff  }
0x29: {  	v4 =	vld.idx.msk [tilespmem:v0+s20+$0xFFFFFFE0 ss:$0x1], $0xffff  }
0x2a: {  	v3 =	vld.idx.msk [tilespmem:v0+s20+$0xFFFFFFF0 ss:$0x1], $0xffff  }
0x2b: {  	v1 =	vld.idx.msk [tilespmem:v0+s20+$0x0 ss:$0x1], $0xffff  }
0x2c: {  	v2 =	vld.idx.msk [tilespmem:v0+s20+$0x10 ss:$0x1], $0xffff;
	[tilespmem:s16+$0x30] =	vst v6  }
0x2d: {  	s19 =	simm.s32 $0x80;
	s21 =	simm.s32 $0x400;
	[tilespmem:s16+$0xFFFFFFC0] =	vst v7;
	v6 =	vld.idx.msk [tilespmem:v0+s20+$0x20 ss:$0x1], $0xffff;
	s20 =	smov.u32 s16  }
.LBB1_5:
0x2e: {  	p1 =	sne.s32 s21, $0xE00;
	v7 =	vld.idx.msk [tilespmem:v0+s19+$0x30 ss:$0x1], $0xffff;
	[tilespmem:s20+$0xFFFFFFD0] =	vst v5  }
0x2f: {  	v8 =	vld.idx.msk [tilespmem:v0+s19+$0xFFFFFFC0 ss:$0x1], $0xffff;
	[tilespmem:s20+$0xFFFFFFE0] =	vst v4  }
0x30: {  	v5 =	vld.idx.msk [tilespmem:v0+s19+$0xFFFFFFD0 ss:$0x1], $0xffff;
	[tilespmem:s20+$0xFFFFFFF0] =	vst v3  }
.Ltmp3:
0x31: {  	v4 =	vld.idx.msk [tilespmem:v0+s19+$0xFFFFFFE0 ss:$0x1], $0xffff;
	[tilespmem:s20+$0x0] =	vst v1;
	(pc) =	sbr.rel @p1 .LBB1_5-.Ltmp3, $4  }
0x32: {  	v3 =	vld.idx.msk [tilespmem:v0+s19+$0xFFFFFFF0 ss:$0x1], $0xffff;
	[tilespmem:s20+$0x10] =	vst v2  }
0x33: {  	v1 =	vld.idx.msk [tilespmem:v0+s19+$0x0 ss:$0x1], $0xffff;
	[tilespmem:s20+$0x20] =	vst v6;
	s20 =	sadd.s32 $0x400, s20  }
0x34: {  	v2 =	vld.idx.msk [tilespmem:v0+s19+$0x10 ss:$0x1], $0xffff;
	[tilespmem:s20+$0x30] =	vst v7  }
0x35: {  	[tilespmem:s20+$0xFFFFFFC0] =	vst v8;
	v6 =	vld.idx.msk [tilespmem:v0+s19+$0x20 ss:$0x1], $0xffff;
	s19 =	sshra.s32 s21, $0x2;
	s21 =	sadd.s32 $0x200, s21  }
0x36: {  	_ =	sdelay $0x2  }
0x37: {  	[tilespmem:s20+$0xFFFFFFD0] =	vst v5  }
0x38: {  	v56 =	vld.idx.msk [tilespmem:v0+s19+$0x30 ss:$0x1], $0xffff;
	[tilespmem:s20+$0xFFFFFFE0] =	vst v4  }
0x39: {  	v57 =	vld.idx.msk [tilespmem:v0+s19+$0xFFFFFFC0 ss:$0x1], $0xffff;
	[tilespmem:s20+$0xFFFFFFF0] =	vst v3  }
0x3a: {  	v58 =	vld.idx.msk [tilespmem:v0+s19+$0xFFFFFFD0 ss:$0x1], $0xffff;
	[tilespmem:s20+$0x0] =	vst v1  }
0x3b: {  	v59 =	vld.idx.msk [tilespmem:v0+s19+$0xFFFFFFE0 ss:$0x1], $0xffff;
	[tilespmem:s20+$0x10] =	vst v2  }
0x3c: {  	v60 =	vld.idx.msk [tilespmem:v0+s19+$0xFFFFFFF0 ss:$0x1], $0xffff;
	s31 =	sadd.s32 $0x400, s20;
	[tilespmem:s20+$0x20] =	vst v6  }
0x3d: {  	v61 =	vld.idx.msk [tilespmem:v0+s19+$0x0 ss:$0x1], $0xffff;
	[tilespmem:s31+$0x30] =	vst v56  }
0x3e: {  	v62 =	vld.idx.msk [tilespmem:v0+s19+$0x10 ss:$0x1], $0xffff;
	s18 =	sadd.s32 $0x1, s18;
	[tilespmem:s31+$0xFFFFFFC0] =	vst v57  }
0x3f: {  	v63 =	vld.idx.msk [tilespmem:v0+s19+$0x20 ss:$0x1], $0xffff;
	p1 =	sne.s32 s18, $0x8;
	[tilespmem:s31+$0xFFFFFFD0] =	vst v58  }
.Ltmp4:
0x40: {  	[tilespmem:s31+$0xFFFFFFE0] =	vst v59;
	(pc) =	sbr.rel @p1 .LBB1_4-.Ltmp4, $4  }
0x41: {  	[tilespmem:s31+$0xFFFFFFF0] =	vst v60  }
0x42: {  	[tilespmem:s31+$0x0] =	vst v61  }
0x43: {  	[tilespmem:s31+$0x10] =	vst v62  }
0x44: {  	s16 =	sadd.s32 $0x80, s16;
	s17 =	sadd.s32 $0x400, s17;
	[tilespmem:s31+$0x20] =	vst v63  }
.Ltmp5:
0x45: {  	(pc) =	sbr.rel @p0 .LBB1_3-.Ltmp5, $2  }
0x46: {  	_ =	sdelay $0x2  }
0x47: {  	s16 =	simm.s32 $0x2000;
	p1 =	por $0x0, $0x0  }
.Ltmp6:
0x48: {  	(pc) =	sbr.rel .LBB1_9-.Ltmp6, $4  }
0x49: {  	_ = 	snop  }
0x4a: {  	s12 =	sshll.u32 s12, $0xA  }
0x4b: {  	s12 =	sadd.s32 s4, s12  }
0x4c: {  	[hbm4b:s12+s8] =	stream.linear.scatter [tilespmem:s13], [sflag:$0x2], $0x4000, $0x38;
	[tilespmem:$0x10000] =	vst v63  }
.LBB1_10:
0x4d: {  	_ =	sfence.sel $0x180000  }
0x4e: {  	s2 =	simm.s32 $0x1;
	[bflag:$0x0] =	sbarrier.arrive $0xFFFF  }
0x4f: {  	s31 =	simm.s32 $0x2;
	[sflag:s2] =	ssyncpa.u1 $0x1  }
0x50: {  	[sflag:s31] =	ssyncpa.u1 $0x1  }
0x51: {  	p0 =	sne.s32 s0, $0x0;
	_ =	strace $0x9000004A  }
0x52: {  	s0 =	sadd.s32 @!p0 $0x100000, s1;
	[bflag:$0x2] =	sbarrier.arrive $0xFFFF  }
0x53: {  	[sflag:s0] =	ssyncadd.tile.s32 @!p0 $0x1;
	_ =	shalt  }
.Lfunc_end1:
_tile_overlayer_lowered:
.L_overlay_start_2:
0x54: {  	(tag) =	ssettag $0x2  }
0x55: {  	s0 =	rddreg [dreg:$0x0];
	s2 =	stileid.u32  }
0x56: {  	s1 =	rddreg [dreg:$0x1];
	p0 =	sne.s32 s2, $0x0  }
0x57: {  	s3 =	rddreg [dreg:$0x2];
	[bflag:$0x3] =	sbarrier.arrive $0xFFFF;
	s2 =	simm.s32 @!p0 $0x1C01  }
0x58: {  	[timem:s3], [sflag:s2] =	dma.local @!p0 [hbm:s0], s1  }
0x59: {  	s0 =	simm.s32 @!p0 $0x1  }
0x5a: {  	_ =	swait.ge @!p0 [sflag:s0], s1  }
0x5b: {  	s1 =	ssub.s32 @!p0 $0x0, s1;
	[sflag:s0] =	ssyncset.done @!p0 $0x0  }
0x5c: {  	[sflag:s0] =	ssyncadd.s32 @!p0 s1  }
0x5d: {  	[bflag:$0x3] =	sbarrier.arrive $0xFFFF  }
0x5e: {  	_ =	shalt  }

// kernel: sparse-core-data-format-call.cloned.1.call-start
scs
called_computation_lowered:
.L_overlay_start_0:
0x0: {  	s2 =	sld [smem:$0x3FD9]  }
0x1: {  	s3 =	sld [smem:$0x3FFE];
	_ =	sdelay $0x1  }
0x2: {  	s1 =	srdreg.scid  }
0x3: {  	s0 =	sand.u32 $0x1, s1  }
0x4: {  	s18 =	sshll.u32 s0, $0xA;
	s2 =	sadd.s32 s3, s2  }
0x5: {  	s2 =	sadd.s32 s2, s18  }
0x6: {  	[smem:$0x3FC6] =	sst s2  }
0x7: {  	_ = 	snop  }
0x8: {  	s2 =	sld [smem:$0x3FC8];
	(tm) =	ssettm $0x1  }
0x9: {  	s19 =	sld [smem:$0x3FFB];
	_ =	sdelay $0x3  }
0xa: {  	_ =	strace s19  }
0xb: {  	s3 =	sld [smem:$0x3FFC];
	_ =	sdelay $0x3  }
0xc: {  	_ =	strace s3  }
0xd: {  	s3 =	sld [smem:$0x3FFD];
	_ =	sdelay $0x3  }
0xe: {  	_ =	strace s3  }
0xf: {  	_ =	strace $0x8FFFFFFF  }
0x10: {  	s20 =	sld [smem:$0x3FDB];
	_ =	sdelay $0x1  }
0x11: {  	s4 =	simm.s32 $_scs_section_size  }
0x12: {  	s5 =	simm.s32 $_size__tile_overlayer_lowered;
	s6 =	simm.s32 $_tile_overlayer_lowered  }
0x13: {  	s23 =	simm.s32 $0x1BFF;
	s22 =	sshll.u32 s6, $0x1;
	s3 =	sadd.s32 s4, s20  }
0x14: {  	s7 =	simm.s32 $0x0;
	s21 =	sshll.u32 s5, $0x1;
	s5 =	sadd.s32 s22, s3  }
0x15: {  	[timem:s7], [sflag:s23] =	dma.local [hbm:s5], s21  }
0x16: {  	_ =	swait.ge [sflag:s23], s21  }
0x17: {  	s4 =	ssub.s32 $0x0, s21;
	[sflag:s23] =	ssyncset.done $0x0  }
0x18: {  	[sflag:s23] =	ssyncadd.s32 s4;
	_ =	sdelay $0x1  }
0x19: {  	s24 =	simm.s32 $0x1B8B  }
0x1a: {  	_ =	swait.ge [sflag:s24], $0x1  }
0x1b: {  	[sflag:s24] =	ssyncset.done $0x0  }
0x1c: {  	s26 =	simm.s32 $0x1B8E;
	s25 =	sld [smem:$0x3FFE];
	[sflag:s24] =	ssyncadd.s32 $0xFFFFFFFF  }
0x1d: {  	s27 =	simm.s32 $execute0_lowered;
	[smem:$0x3FD2] =	sst s26  }
0x1e: {  	s5 =	sshll.u32 s27, $0x1;
	_ =	strace $0x80000046;
	[dreg:$0x1] =	wrdreg $0xFFFFFFFF  }
0x1f: {  	s28 =	simm.s32 $_size_execute0_lowered;
	s3 =	sadd.s32 s3, s5;
	[dreg:$0x0] =	wrdreg $0x0  }
0x20: {  	s5 =	sshll.u32 s28, $0x1;
	[dreg:$0x2] =	wrdreg s3  }
0x21: {  	[dreg:$0x3] =	wrdreg s5  }
0x22: {  	[dreg:$0x4] =	wrdreg $0xC0  }
0x23: {  	_ =	task [dreg:s7], $0x5FFFF  }
0x24: {  	[dreg:$0x1] =	wrdreg $0xFFFFFFFF  }
0x25: {  	[dreg:$0x0] =	wrdreg $0x60  }
0x26: {  	[dreg:$0x2] =	wrdreg s2  }
0x27: {  	[dreg:$0x3] =	wrdreg s25  }
0x28: {  	[dreg:$0x4] =	wrdreg $0x9  }
0x29: {  	_ =	task.clear_ibuf [dreg:s7], $0x5FFFF;
	_ =	strace $0x90000046  }
0x2a: {  	s29 =	simm.s32 $0x9;
	_ =	strace $0x80000048  }
0x2b: {  	_ =	swait.ge [sflag:s29], $0x1  }
0x2c: {  	[sflag:s29] =	ssyncadd.s32 $0xFFFFFFFF  }
0x2d: {  	_ =	strace $0x90000048  }
0x2e: {  	_ =	sfence  }
0x2f: {  	s30 =	sld [smem:$0x0];
	_ =	sdelay $0x2  }
0x30: {  	s31 =	sshll.u32 s1, $0xD;
	s1 =	sshrl.u32 s1, $0x2  }
0x31: {  	s3 =	sand.u32 $0x4000, s31;
	s1 =	sadd.s32 s1, s30  }
0x32: {  	s0 =	sor.u32 s3, s0;
	s1 =	sshll.u32 s1, $0x11  }
0x33: {  	s0 =	sor.u32 s1, s0  }
0x34: {  	s0 =	sadd.s32 $0x8F2B, s0  }
0x35: {  	[sflag:s0] =	ssyncadd.remote.s32 $0x1  }
0x36: {  	_ =	sfence.sel $0xFFFF  }
0x37: {  	[dreg:$0x0] =	wrdreg $0xFFFFFFFF;
	(pc) =	sbr.abs _section_cstart, $3  }
0x38: {  	[dreg:$0x1] =	wrdreg $0xFFFFFFFF  }
0x39: {  	_ =	task.clear_ibuf [dreg:s7], $0x2FFFF;
	_ =	strace $0x9FFFFFFF  }
0x3a: {  	(tm) =	ssettm $0x7FFFFFFF  }
0x3b: {  	_ =	shalt  }
tec
execute0_lowered:
.L_overlay_start_1:
0x0: {  	(tag) =	ssettag $0x1  }
0x1: {  	s0 =	srdreg.scid  }
0x2: {  	s1 =	sshll.u32 s0, $0x4  }
0x3: {  	s2 =	rddreg [dreg:$0x0];
	s0 =	stileid.u32;
	s1 =	sand.u32 $0x10, s1  }
0x4: {  	s4 =	rddreg [dreg:$0x1];
	s7 =	simm.s32 $0x1;
	s1 =	sor.u32 s0, s1  }
0x5: {  	s8 =	simm.s32 $0x2;
	s9 =	simm.s32 $0x0;
	s3 =	sshll.u32 s1, $0x1  }
0x6: {  	s12 =	simm.s32 $0x0;
	s11 =	simm.s32 $0x0;
	s6 =	ssub.s32 $0x400, s3  }
.Ltmp0:
0x7: {  	s4 =	sadd.s32 $0xC00, s4;
	s5 =	sand.u32 $0x3E, s6;
	(pc) =	sbr.rel .LBB1_1-.Ltmp0, $4  }
0x8: {  	s1 =	rddreg [dreg:$0x2];
	_ =	strace $0x80000047;
	p0 =	sne.s32 s5, $0x0  }
0x9: {  	s6 =	sshrl.u32 s6, $0x6;
	s5 =	simm.s32 $0x1;
	s7 =	simm.s32 @!p0 $0x0  }
0xa: {  	s10 =	smov.u32 s3;
	[sflag:s5] =	ssyncpa.u1 $0x0;
	s6 =	sadd.s32 s7, s6  }
0xb: {  	[sflag:s8] =	ssyncpa.u1 $0x0;
	s8 =	simm.s32 $0x0;
	s7 =	sadd.s32 $0x1, s6  }
.LBB1_9:
0xc: {  	s14 =	sadd.s32 $0x40, s10  }
0xd: {  	p1 =	sgt.s32 s14, $0x3FF  }
0xe: {  	s14 =	smov.u32 @p1 s3;
	p1 =	sne.s32 s11, s7  }
.Ltmp1:
0xf: {  	p0 =	slt.u32 s11, $0x2;
	(pc) =	sbr.rel @!p1 .LBB1_10-.Ltmp1, $4  }
0x10: {  	s13 =	simm.s32 @!p0 $0x2  }
0x11: {  	s15 =	sadd.s32 $0x1, s11;
	_ =	swait.ge @!p0 [sflag:s13], $0x4000  }
0x12: {  	s12 =	smov.u32 s10;
	s9 =	sadd.s32 $0x4000, s9;
	[sflag:s13] =	ssyncset.done @!p0 $0x0  }
0x13: {  	s11 =	smov.u32 s15;
	s10 =	smov.u32 s14;
	[sflag:s13] =	ssyncadd.s32 @!p0 $0xFFFFC000  }
.LBB1_1:
0x14: {  	p0 =	sge.u32 s11, s6  }
0x15: {  	s13 =	sxor.u32 @!p0 $0xFFFFFFFF, s11  }
0x16: {  	s31 =	sadd.s32 $0xFFFFFFFF, s11;
	s14 =	sshll.u32 @!p0 s10, $0xA;
	s13 =	sshll.u32 @!p0 s13, $0xE  }
0x17: {  	s15 =	simm.s32 @!p0 $0x0;
	s14 =	sadd.s32 @!p0 s2, s14;
	s13 =	sand.u32 @!p0 $0x4000, s13  }
0x18: {  	[tilespmem:s13], [sflag:$0x1] =	stream.linear.gather @!p0 [hbm4b:s14+s15], $0x4000, $0x38;
	[tilespmem:$0x10000] =	vst v63  }
0x19: {  	p0 =	sge.u32 s31, s6  }
.Ltmp2:
0x1a: {  	_ = 	snop;
	(pc) =	sbr.rel @p0 .LBB1_9-.Ltmp2, $1  }
0x1b: {  	_ =	sdelay $0x3  }
0x1c: {  	s13 =	sshll.u32 s9, $0x2  }
0x1d: {  	_ =	swait.ge [sflag:s5], $0x4000;
	s14 =	sshll.u32 s11, $0xE;
	s16 =	simm.s32 $0x0  }
0x1e: {  	p1 =	por $0x1, $0x1;
	s13 =	sand.u32 $0x10000, s13;
	[sflag:s5] =	ssyncset.done $0x0  }
0x1f: {  	s14 =	sand.u32 $0x4000, s14;
	s15 =	sshrl.u32 s13, $0x2;
	[sflag:s5] =	ssyncadd.s32 $0xFFFFC000  }
0x20: {  	s13 =	sor.u32 $0x8000, s14;
	s14 =	sadd.s32 $0x8040, s15;
	s15 =	sadd.s32 $0x40, s15  }
.LBB1_3:
0x21: {  	s16 =	sshll.u32 s16, $0x2  }
0x22: {  	p0 =	por p1, p1;
	s17 =	sshra.s32 s16, $0x2  }
0x23: {  	s18 =	simm.s32 $0x0;
	s16 =	sadd.s32 s17, s14;
	s17 =	sadd.s32 s17, s15  }
.LBB1_4:
0x24: {  	v0 =	vmov s17;
	_ =	sdelay $0x3  }
0x25: {  	s20 =	simm.s32 $0x0  }
0x26: {  	v6 =	vld.idx.msk [tilespmem:v0+s20+$0x30 ss:$0x1], $0xffff  }
0x27: {  	v7 =	vld.idx.msk [tilespmem:v0+s20+$0xFFFFFFC0 ss:$0x1], $0xffff  }
0x28: {  	v5 =	vld.idx.msk [tilespmem:v0+s20+$0xFFFFFFD0 ss:$0x1], $0xffff  }
0x29: {  	v4 =	vld.idx.msk [tilespmem:v0+s20+$0xFFFFFFE0 ss:$0x1], $0xffff  }
0x2a: {  	v3 =	vld.idx.msk [tilespmem:v0+s20+$0xFFFFFFF0 ss:$0x1], $0xffff  }
0x2b: {  	v1 =	vld.idx.msk [tilespmem:v0+s20+$0x0 ss:$0x1], $0xffff  }
0x2c: {  	v2 =	vld.idx.msk [tilespmem:v0+s20+$0x10 ss:$0x1], $0xffff;
	[tilespmem:s16+$0x30] =	vst v6  }
0x2d: {  	s19 =	simm.s32 $0x80;
	s21 =	simm.s32 $0x400;
	[tilespmem:s16+$0xFFFFFFC0] =	vst v7;
	v6 =	vld.idx.msk [tilespmem:v0+s20+$0x20 ss:$0x1], $0xffff;
	s20 =	smov.u32 s16  }
.LBB1_5:
0x2e: {  	p1 =	sne.s32 s21, $0xE00;
	v7 =	vld.idx.msk [tilespmem:v0+s19+$0x30 ss:$0x1], $0xffff;
	[tilespmem:s20+$0xFFFFFFD0] =	vst v5  }
0x2f: {  	v8 =	vld.idx.msk [tilespmem:v0+s19+$0xFFFFFFC0 ss:$0x1], $0xffff;
	[tilespmem:s20+$0xFFFFFFE0] =	vst v4  }
0x30: {  	v5 =	vld.idx.msk [tilespmem:v0+s19+$0xFFFFFFD0 ss:$0x1], $0xffff;
	[tilespmem:s20+$0xFFFFFFF0] =	vst v3  }
.Ltmp3:
0x31: {  	v4 =	vld.idx.msk [tilespmem:v0+s19+$0xFFFFFFE0 ss:$0x1], $0xffff;
	[tilespmem:s20+$0x0] =	vst v1;
	(pc) =	sbr.rel @p1 .LBB1_5-.Ltmp3, $4  }
0x32: {  	v3 =	vld.idx.msk [tilespmem:v0+s19+$0xFFFFFFF0 ss:$0x1], $0xffff;
	[tilespmem:s20+$0x10] =	vst v2  }
0x33: {  	v1 =	vld.idx.msk [tilespmem:v0+s19+$0x0 ss:$0x1], $0xffff;
	[tilespmem:s20+$0x20] =	vst v6;
	s20 =	sadd.s32 $0x400, s20  }
0x34: {  	v2 =	vld.idx.msk [tilespmem:v0+s19+$0x10 ss:$0x1], $0xffff;
	[tilespmem:s20+$0x30] =	vst v7  }
0x35: {  	[tilespmem:s20+$0xFFFFFFC0] =	vst v8;
	v6 =	vld.idx.msk [tilespmem:v0+s19+$0x20 ss:$0x1], $0xffff;
	s19 =	sshra.s32 s21, $0x2;
	s21 =	sadd.s32 $0x200, s21  }
0x36: {  	_ =	sdelay $0x2  }
0x37: {  	[tilespmem:s20+$0xFFFFFFD0] =	vst v5  }
0x38: {  	v56 =	vld.idx.msk [tilespmem:v0+s19+$0x30 ss:$0x1], $0xffff;
	[tilespmem:s20+$0xFFFFFFE0] =	vst v4  }
0x39: {  	v57 =	vld.idx.msk [tilespmem:v0+s19+$0xFFFFFFC0 ss:$0x1], $0xffff;
	[tilespmem:s20+$0xFFFFFFF0] =	vst v3  }
0x3a: {  	v58 =	vld.idx.msk [tilespmem:v0+s19+$0xFFFFFFD0 ss:$0x1], $0xffff;
	[tilespmem:s20+$0x0] =	vst v1  }
0x3b: {  	v59 =	vld.idx.msk [tilespmem:v0+s19+$0xFFFFFFE0 ss:$0x1], $0xffff;
	[tilespmem:s20+$0x10] =	vst v2  }
0x3c: {  	v60 =	vld.idx.msk [tilespmem:v0+s19+$0xFFFFFFF0 ss:$0x1], $0xffff;
	s31 =	sadd.s32 $0x400, s20;
	[tilespmem:s20+$0x20] =	vst v6  }
0x3d: {  	v61 =	vld.idx.msk [tilespmem:v0+s19+$0x0 ss:$0x1], $0xffff;
	[tilespmem:s31+$0x30] =	vst v56  }
0x3e: {  	v62 =	vld.idx.msk [tilespmem:v0+s19+$0x10 ss:$0x1], $0xffff;
	s18 =	sadd.s32 $0x1, s18;
	[tilespmem:s31+$0xFFFFFFC0] =	vst v57  }
0x3f: {  	v63 =	vld.idx.msk [tilespmem:v0+s19+$0x20 ss:$0x1], $0xffff;
	p1 =	sne.s32 s18, $0x8;
	[tilespmem:s31+$0xFFFFFFD0] =	vst v58  }
.Ltmp4:
0x40: {  	[tilespmem:s31+$0xFFFFFFE0] =	vst v59;
	(pc) =	sbr.rel @p1 .LBB1_4-.Ltmp4, $4  }
0x41: {  	[tilespmem:s31+$0xFFFFFFF0] =	vst v60  }
0x42: {  	[tilespmem:s31+$0x0] =	vst v61  }
0x43: {  	[tilespmem:s31+$0x10] =	vst v62  }
0x44: {  	s16 =	sadd.s32 $0x80, s16;
	s17 =	sadd.s32 $0x400, s17;
	[tilespmem:s31+$0x20] =	vst v63  }
.Ltmp5:
0x45: {  	(pc) =	sbr.rel @p0 .LBB1_3-.Ltmp5, $2  }
0x46: {  	_ =	sdelay $0x2  }
0x47: {  	s16 =	simm.s32 $0x2000;
	p1 =	por $0x0, $0x0  }
.Ltmp6:
0x48: {  	(pc) =	sbr.rel .LBB1_9-.Ltmp6, $4  }
0x49: {  	_ = 	snop  }
0x4a: {  	s12 =	sshll.u32 s12, $0xA  }
0x4b: {  	s12 =	sadd.s32 s4, s12  }
0x4c: {  	[hbm4b:s12+s8] =	stream.linear.scatter [tilespmem:s13], [sflag:$0x2], $0x4000, $0x38;
	[tilespmem:$0x10000] =	vst v63  }
.LBB1_10:
0x4d: {  	_ =	sfence.sel $0x180000  }
0x4e: {  	s2 =	simm.s32 $0x1;
	[bflag:$0x0] =	sbarrier.arrive $0xFFFF  }
0x4f: {  	s31 =	simm.s32 $0x2;
	[sflag:s2] =	ssyncpa.u1 $0x1  }
0x50: {  	[sflag:s31] =	ssyncpa.u1 $0x1  }
0x51: {  	p0 =	sne.s32 s0, $0x0;
	_ =	strace $0x90000047  }
0x52: {  	s0 =	sadd.s32 @!p0 $0x100000, s1;
	[bflag:$0x2] =	sbarrier.arrive $0xFFFF  }
0x53: {  	[sflag:s0] =	ssyncadd.tile.s32 @!p0 $0x1;
	_ =	shalt  }
.Lfunc_end1:
_tile_overlayer_lowered:
.L_overlay_start_2:
0x54: {  	(tag) =	ssettag $0x2  }
0x55: {  	s0 =	rddreg [dreg:$0x0];
	s2 =	stileid.u32  }
0x56: {  	s1 =	rddreg [dreg:$0x1];
	p0 =	sne.s32 s2, $0x0  }
0x57: {  	s3 =	rddreg [dreg:$0x2];
	[bflag:$0x3] =	sbarrier.arrive $0xFFFF;
	s2 =	simm.s32 @!p0 $0x1C01  }
0x58: {  	[timem:s3], [sflag:s2] =	dma.local @!p0 [hbm:s0], s1  }
0x59: {  	s0 =	simm.s32 @!p0 $0x1  }
0x5a: {  	_ =	swait.ge @!p0 [sflag:s0], s1  }
0x5b: {  	s1 =	ssub.s32 @!p0 $0x0, s1;
	[sflag:s0] =	ssyncset.done @!p0 $0x0  }
0x5c: {  	[sflag:s0] =	ssyncadd.s32 @!p0 s1  }
0x5d: {  	[bflag:$0x3] =	sbarrier.arrive $0xFFFF  }
0x5e: {  	_ =	shalt  }

</sc_bundles>
